<compile_context>
chip_gen: v7x
topology: tpu7x:2x2x1
jax: 0.10.2.dev20260603
libtpu: 0.0.44.dev20260713+nightly
codegen_flags: <defaults>
</compile_context>

<pallas_src>
import functools

import jax
import jax.numpy as jnp
from jax import lax
from jax.experimental import pallas as pl
from jax.experimental.pallas import tpu as pltpu
from jax.experimental.pallas import tpu_sc as plsc

N_TOK = 4096
D_IN = 1024
E = 8
H = 1024
D_OUT = 1024
K = 2
LOSS_COEF = 0.01

BN_GATE = 512
BM = 512
NB = 24
P = NB * BM
BN_MLP = 512

_BF = jnp.bfloat16
_F32 = jnp.float32


def _gating_body(x_ref, wg_ref, i01_ref, g01_ref, imp_ref, load_ref):
    t = pl.program_id(0)
    logits = jnp.dot(x_ref[...].astype(_BF), wg_ref[...].astype(_BF),
                     preferred_element_type=_F32)
    bn = logits.shape[0]
    iot = lax.broadcasted_iota(jnp.int32, (bn, E), 1)
    v0 = jnp.max(logits, axis=-1, keepdims=True)
    i0 = jnp.argmax(logits, axis=-1).astype(jnp.int32)
    masked = jnp.where(iot == i0[:, None], -jnp.inf, logits)
    v1 = jnp.max(masked, axis=-1, keepdims=True)
    i1 = jnp.argmax(masked, axis=-1).astype(jnp.int32)
    e1 = jnp.exp(v1 - v0)
    denom = 1.0 + e1
    g0 = 1.0 / denom
    g1 = e1 / denom
    i01_ref[...] = jnp.concatenate([i0[:, None], i1[:, None]], axis=1)
    g01_ref[...] = jnp.concatenate([g0, g1], axis=1)
    oh0 = (iot == i0[:, None]).astype(_F32)
    oh1 = (iot == i1[:, None]).astype(_F32)
    imp_blk = jnp.sum(oh0 * g0 + oh1 * g1, axis=0, keepdims=True)
    load_blk = jnp.sum(oh0 + oh1 * (g1 > 0.0).astype(_F32), axis=0,
                       keepdims=True)

    @pl.when(t == 0)
    def _():
        imp_ref[...] = jnp.zeros_like(imp_ref)
        load_ref[...] = jnp.zeros_like(load_ref)

    imp_ref[...] += imp_blk
    load_ref[...] += load_blk


def _gating(x, w_gate):
    n = x.shape[0]
    grid = (n // BN_GATE,)
    return pl.pallas_call(
        _gating_body,
        grid=grid,
        in_specs=[
            pl.BlockSpec((BN_GATE, D_IN), lambda t: (t, 0)),
            pl.BlockSpec((D_IN, E), lambda t: (0, 0)),
        ],
        out_specs=[
            pl.BlockSpec((BN_GATE, K), lambda t: (t, 0)),
            pl.BlockSpec((BN_GATE, K), lambda t: (t, 0)),
            pl.BlockSpec((1, E), lambda t: (0, 0)),
            pl.BlockSpec((1, E), lambda t: (0, 0)),
        ],
        out_shape=[
            jax.ShapeDtypeStruct((n, K), jnp.int32),
            jax.ShapeDtypeStruct((n, K), _F32),
            jax.ShapeDtypeStruct((1, E), _F32),
            jax.ShapeDtypeStruct((1, E), _F32),
        ],
        compiler_params=pltpu.CompilerParams(
            dimension_semantics=("arbitrary",)),
    )(x, w_gate)


_SC_W = 128
_SC_HS = 256


def _sc_gather32(src, idx):
    m, c = src.shape
    s = c // _SC_HS
    src2 = src.reshape(m * s, _SC_HS)
    ni = idx.shape[0]
    idx2 = (idx[:, None] * s +
            jnp.arange(s, dtype=jnp.int32)[None, :]).reshape(1, ni * s)
    mesh = plsc.VectorSubcoreMesh(core_axis_name="core",
                                  subcore_axis_name="subcore")

    @pl.kernel(out_type=jax.ShapeDtypeStruct((ni * s, _SC_HS), src.dtype),
               mesh=mesh)
    def k(src_hbm, i_hbm, o_hbm):
        def body(i_vmem, o_vmem):
            pltpu.sync_copy(src_hbm.at[i_vmem.at[0]], o_vmem)

        pltpu.emit_pipeline(
            body,
            grid=(ni * s // _SC_W,),
            in_specs=[pl.BlockSpec((1, _SC_W), lambda i: (0, i))],
            out_specs=[pl.BlockSpec((_SC_W, _SC_HS), lambda i: (i, 0))],
            core_axis_name=("core", "subcore"),
            dimension_semantics=(pltpu.PARALLEL,),
        )(i_hbm, o_hbm)

    return k(src2, idx2).reshape(ni, c)


def _pack_bf16(a):
    m, c = a.shape
    return lax.bitcast_convert_type(a.reshape(m, c // 2, 2), jnp.int32)


def _unpack_bf16(a):
    m, c = a.shape
    return lax.bitcast_convert_type(a, _BF).reshape(m, 2 * c)


def _gmm_body(be_ref, xs_ref, w1_ref, b1_ref, w2_ref, b2_ref, eo_ref):
    h = jnp.dot(xs_ref[...], w1_ref[0], preferred_element_type=_F32)
    h = jnp.tanh(h + b1_ref[0])
    eo = jnp.dot(h.astype(_BF), w2_ref[0], preferred_element_type=_F32)
    eo_ref[...] = (eo + b2_ref[0]).astype(_BF)


def _gmm(xs, ew1, eb1, ew2, eb2, block_expert):
    grid_spec = pltpu.PrefetchScalarGridSpec(
        num_scalar_prefetch=1,
        grid=(NB,),
        in_specs=[
            pl.BlockSpec((BM, D_IN), lambda i, be: (i, 0)),
            pl.BlockSpec((1, D_IN, H), lambda i, be: (be[i], 0, 0)),
            pl.BlockSpec((1, 1, H), lambda i, be: (be[i], 0, 0)),
            pl.BlockSpec((1, H, H), lambda i, be: (be[i], 0, 0)),
            pl.BlockSpec((1, 1, H), lambda i, be: (be[i], 0, 0)),
        ],
        out_specs=pl.BlockSpec((BM, H), lambda i, be: (i, 0)),
    )
    return pl.pallas_call(
        _gmm_body,
        grid_spec=grid_spec,
        out_shape=jax.ShapeDtypeStruct((P, H), _BF),
        compiler_params=pltpu.CompilerParams(
            dimension_semantics=("arbitrary",)),
    )(block_expert, xs, ew1, eb1, ew2, eb2)


def _mlp_body(a_ref, b_ref, g_ref, mw1_ref, mb1_ref, mw2_ref, mb2_ref,
              fw_ref, fb_ref, out_ref):
    g = g_ref[...].astype(_BF).astype(_F32)
    g0 = g[:, 0:1]
    g1 = g[:, 1:2]
    y = a_ref[...].astype(_F32) * g0 + b_ref[...].astype(_F32) * g1
    y1 = jnp.tanh(jnp.dot(y.astype(_BF), mw1_ref[...],
                          preferred_element_type=_F32) + mb1_ref[...])
    y2 = jnp.tanh(jnp.dot(y1.astype(_BF), mw2_ref[...],
                          preferred_element_type=_F32) + mb2_ref[...])
    out_ref[...] = jnp.dot(y2.astype(_BF), fw_ref[...],
                           preferred_element_type=_F32) + fb_ref[...]


def _combine_mlp(a, b, g01, mw1, mb1, mw2, mb2, fw, fb):
    n = a.shape[0]
    grid = (n // BN_MLP,)
    return pl.pallas_call(
        _mlp_body,
        grid=grid,
        in_specs=[
            pl.BlockSpec((BN_MLP, H), lambda t: (t, 0)),
            pl.BlockSpec((BN_MLP, H), lambda t: (t, 0)),
            pl.BlockSpec((BN_MLP, K), lambda t: (t, 0)),
            pl.BlockSpec((H, H), lambda t: (0, 0)),
            pl.BlockSpec((1, H), lambda t: (0, 0)),
            pl.BlockSpec((H, H), lambda t: (0, 0)),
            pl.BlockSpec((1, H), lambda t: (0, 0)),
            pl.BlockSpec((H, D_OUT), lambda t: (0, 0)),
            pl.BlockSpec((1, D_OUT), lambda t: (0, 0)),
        ],
        out_specs=pl.BlockSpec((BN_MLP, D_OUT), lambda t: (t, 0)),
        out_shape=jax.ShapeDtypeStruct((n, D_OUT), _F32),
        compiler_params=pltpu.CompilerParams(
            dimension_semantics=("arbitrary",)),
    )(a, b, g01, mw1, mb1, mw2, mb2, fw, fb)


def _cv_squared(v):
    eps = 1e-10
    return jnp.var(v, ddof=1) / (jnp.mean(v) ** 2 + eps)


def kernel(x, w_gate, ew1, eb1, ew2, eb2, mw1, mb1, mw2, mb2, fw, fb):
    n = x.shape[0]
    i01, g01, imp, load = _gating(x, w_gate)

    flat_e = i01.reshape(-1)
    oh = (flat_e[:, None] == jnp.arange(E, dtype=jnp.int32)[None, :])
    oh = oh.astype(jnp.int32)
    counts = jnp.sum(oh, axis=0)
    rank_all = jnp.cumsum(oh, axis=0) - oh
    rank = jnp.take_along_axis(rank_all, flat_e[:, None], axis=1)[:, 0]
    pc = ((counts + BM - 1) // BM) * BM
    poff = jnp.concatenate([jnp.zeros((1,), jnp.int32),
                            jnp.cumsum(pc)[:-1].astype(jnp.int32)])
    dest = poff[flat_e] + rank
    pair_tok = jnp.arange(n * K, dtype=jnp.int32) // K
    src_row = jnp.zeros((P,), jnp.int32).at[dest].set(pair_tok)
    blk_start = jnp.arange(NB, dtype=jnp.int32) * BM
    block_expert = (jnp.sum(
        (blk_start[:, None] >= poff[None, :]).astype(jnp.int32), axis=1) - 1
    ).astype(jnp.int32)

    xb = x.astype(_BF)
    xs = _unpack_bf16(_sc_gather32(_pack_bf16(xb), src_row))

    eo = _gmm(xs, ew1.astype(_BF), eb1.reshape(E, 1, H),
              ew2.astype(_BF), eb2.reshape(E, 1, H), block_expert)

    d2 = dest.reshape(n, K)
    comb_idx = jnp.concatenate([d2[:, 0], d2[:, 1]])
    comb = _unpack_bf16(_sc_gather32(_pack_bf16(eo), comb_idx))
    a = comb[:n]
    b = comb[n:]

    out = _combine_mlp(a, b, g01, mw1.astype(_BF), mb1.reshape(1, H),
                       mw2.astype(_BF), mb2.reshape(1, H),
                       fw.astype(_BF), fb.reshape(1, D_OUT))

    aux = LOSS_COEF * (_cv_squared(imp.reshape(E)) +
                       _cv_squared(load.reshape(E)))
    return (out, aux)

# --- scband reference (transcript-rebuilt; emitter-appended) ---
"""Pipeline reference for scband-mo-e-fcnn-63221918597594 (READ-ONLY COPY).

The authoritative reference and input builder live on the scoring server;
editing this copy changes nothing except your own understanding.
"""

import jax, jax.numpy as jnp
import numpy as np

N_TOK = 4096
D_IN = 1024
E = 8
H = 1024
D_OUT = 1024
K = 2
LOSS_COEF = 0.01


def _xavier(key, shape):
    fan_in, fan_out = shape[-2], shape[-1]
    std = np.sqrt(2.0 / (fan_in + fan_out))
    return jax.random.normal(key, shape, dtype=jnp.float32) * std


def setup_inputs(seed: int = 0) -> dict:
    key = jax.random.key(seed)
    ks = jax.random.split(key, 12)
    x = jax.random.normal(ks[0], (N_TOK, D_IN), dtype=jnp.float32)
    w_gate = jax.random.normal(ks[1], (D_IN, E), dtype=jnp.float32) * 0.02
    ew1 = _xavier(ks[2], (E, D_IN, H))
    eb1 = jnp.zeros((E, H), dtype=jnp.float32)
    ew2 = _xavier(ks[3], (E, H, H))
    eb2 = jnp.zeros((E, H), dtype=jnp.float32)
    mw1 = _xavier(ks[4], (H, H))
    mb1 = jnp.zeros((H,), dtype=jnp.float32)
    mw2 = _xavier(ks[5], (H, H))
    mb2 = jnp.zeros((H,), dtype=jnp.float32)
    fw = _xavier(ks[6], (H, D_OUT))
    fb = jnp.zeros((D_OUT,), dtype=jnp.float32)
    return {"x": x, "w_gate": w_gate, "ew1": ew1, "eb1": eb1, "ew2": ew2,
            "eb2": eb2, "mw1": mw1, "mb1": mb1, "mw2": mw2, "mb2": mb2,
            "fw": fw, "fb": fb}


def _cv_squared(v):
    eps = 1e-10
    return jnp.var(v, ddof=1) / (jnp.mean(v) ** 2 + eps)


def reference(x, w_gate, ew1, eb1, ew2, eb2, mw1, mb1, mw2, mb2, fw, fb):
    n = x.shape[0]
    # ---- noisy top-k gating (eval mode: clean logits) ----
    logits = x @ w_gate                               # [N, E]
    top_vals, top_idx = jax.lax.top_k(logits, K)      # [N, K]
    top_gates = jax.nn.softmax(top_vals, axis=-1)     # softmax over top-k logits
    rows = jnp.arange(n)[:, None]
    gates = jnp.zeros((n, E), dtype=x.dtype).at[rows, top_idx].set(top_gates)
    importance = gates.sum(axis=0)
    load = (gates > 0).sum(axis=0).astype(x.dtype)
    aux_loss = LOSS_COEF * (_cv_squared(importance) + _cv_squared(load))
    # ---- expert FFNs (dense compute, equivalent to dispatch/combine) ----
    h = jnp.tanh(jnp.einsum('nd,edh->enh', x, ew1) + eb1[:, None, :])
    eo = jnp.einsum('enh,ehk->enk', h, ew2) + eb2[:, None, :]
    y = jnp.einsum('ne,enh->nh', gates, eo)
    # ---- trailing MLP blocks (depth-1 = 2) ----
    y = jnp.tanh(y @ mw1 + mb1)
    y = jnp.tanh(y @ mw2 + mb2)
    # ---- final linear ----
    out = y @ fw + fb
    return (out, aux_loss)

if __name__ == "__main__":
    import jax
    _d = setup_inputs()
    print(jax.jit(kernel)(*tuple(_d.values())))

</pallas_src>

<mosaic_0001>
#map = affine_map<(d0, d1) -> (0, 0)>
module attributes {stable_mosaic.version = 14 : i64} {
  func.func @k(%arg0: i32, %arg1: i32, %arg2: memref<24576x256xi32, #tpu.memory_space<hbm>>, %arg3: memref<1x16384xi32, #tpu.memory_space<hbm>>, %arg4: memref<16384x256xi32, #tpu.memory_space<hbm>>) attributes {dimension_semantics = [#tpu.dimension_semantics<core_parallel>, #tpu.dimension_semantics<subcore_parallel>], iteration_bounds = array<i64: 2, 16>, scalar_prefetch = 0 : i64, scratch_operands = 0 : i64, tpu.core_type = #tpu.core_type<sc_vector_subcore>, window_params = [{transform_indices = #map}, {transform_indices = #map}, {transform_indices = #map}]} {
    %mul3A = arith.constant 1 : i32
    %mul3A_0 = arith.muli %arg1, %mul3A : i32
    %add3A = arith.constant 0 : i32
    %add3A_1 = arith.addi %add3A, %mul3A_0 : i32
    %mul3A_2 = arith.constant 16 : i32
    %mul3A_3 = arith.muli %arg0, %mul3A_2 : i32
    %add3A_4 = arith.addi %add3A_1, %mul3A_3 : i32
    %mul3A_5 = arith.constant 4 : i32
    %mul3A_6 = arith.muli %add3A_4, %mul3A_5 : i32
    "tpu.region"() ({
      %run_scoped3A = memref.alloca() : memref<2x1x128xi32, #tpu.memory_space<vmem>>
      %run_scoped3A_7 = tpu.sem_alloc : memref<2x!tpu.dma_semaphore, #tpu.memory_space<semaphore_mem>>
      %run_scoped3A_8 = memref.alloca() : memref<2x128x256xi32, #tpu.memory_space<vmem>>
      %run_scoped3A_9 = tpu.sem_alloc : memref<2x!tpu.dma_semaphore, #tpu.memory_space<semaphore_mem>>
      %add3A_10 = arith.constant 0 : i32
      %add3A_11 = arith.addi %add3A_10, %mul3A_6 : i32
      %select_n3A = arith.constant true
      %select_n3A_12 = arith.constant 0 : i32
      %select_n3A_13 = arith.constant -1 : i32
      %select_n3A_14 = arith.select %select_n3A, %select_n3A_13, %select_n3A_12 : i32
      %eq3A = arith.constant -1 : i32
      %eq3A_15 = arith.cmpi eq, %select_n3A_14, %eq3A : i32
      %select_n3A_16 = arith.constant 3 : i32
      %select_n3A_17 = arith.select %eq3A_15, %select_n3A_16, %select_n3A_14 : i32
      %add3A_18 = arith.addi %select_n3A_17, %mul3A_6 : i32
      %select_n3A_19 = arith.constant true
      %select_n3A_20 = arith.constant 0 : i32
      %select_n3A_21 = arith.constant 1 : i32
      %select_n3A_22 = arith.select %select_n3A_19, %select_n3A_21, %select_n3A_20 : i32
      %eq3A_23 = arith.constant 4 : i32
      %eq3A_24 = arith.cmpi eq, %select_n3A_22, %eq3A_23 : i32
      %select_n3A_25 = arith.constant 0 : i32
      %select_n3A_26 = arith.select %eq3A_24, %select_n3A_25, %select_n3A_22 : i32
      %add3A_27 = arith.addi %select_n3A_26, %mul3A_6 : i32
      %add3A_28 = arith.constant 1 : i32
      %add3A_29 = arith.addi %select_n3A_26, %add3A_28 : i32
      %select_n3A_30 = arith.constant true
      %select_n3A_31 = arith.select %select_n3A_30, %add3A_29, %select_n3A_26 : i32
      %eq3A_32 = arith.constant 4 : i32
      %eq3A_33 = arith.cmpi eq, %select_n3A_31, %eq3A_32 : i32
      %select_n3A_34 = arith.constant 0 : i32
      %select_n3A_35 = arith.select %eq3A_33, %select_n3A_34, %select_n3A_31 : i32
      %add3A_36 = arith.addi %select_n3A_35, %mul3A_6 : i32
      "tpu.trace_start"() <{level = 10 : i32, message = "ep_initialize_0"}> : () -> ()
      %rem3A = arith.constant 0 : i32
      %rem3A_37 = arith.constant 2 : i32
      %rem3A_38 = arith.remui %rem3A, %rem3A_37 : i32
      %mul3A_39 = arith.constant 128 : i32
      %mul3A_40 = arith.muli %mul3A_39, %add3A_11 : i32
      %dma_start3A = arith.constant 0 : i32
      %dma_start3A_41 = arith.constant 0 : i32
      %dma_start3A_42 = tpu.memref_slice %run_scoped3A[%rem3A_38, %dma_start3A, %dma_start3A_41] : memref<2x1x128xi32, #tpu.memory_space<vmem>> -> memref<1x1x128xi32, #tpu.memory_space<vmem>>
      %dma_start3A_43 = tpu.memref_squeeze %dma_start3A_42 : memref<1x1x128xi32, #tpu.memory_space<vmem>> -> memref<1x128xi32, #tpu.memory_space<vmem>>
      %dma_start3A_44 = arith.constant 0 : i32
      %dma_start3A_45 = tpu.memref_slice %arg3[%dma_start3A_44, %mul3A_40] : memref<1x16384xi32, #tpu.memory_space<hbm>> -> memref<1x128xi32, #tpu.memory_space<hbm>>
      %dma_start3A_46 = tpu.memref_slice %run_scoped3A_7[%rem3A_38] : memref<2x!tpu.dma_semaphore, #tpu.memory_space<semaphore_mem>> -> memref<1x!tpu.dma_semaphore, #tpu.memory_space<semaphore_mem>>
      %dma_start3A_47 = tpu.memref_squeeze %dma_start3A_46 : memref<1x!tpu.dma_semaphore, #tpu.memory_space<semaphore_mem>> -> memref<!tpu.dma_semaphore, #tpu.memory_space<semaphore_mem>>
      %dma_start3A_48 = arith.constant 0 : i32
      %dma_start3A_49 = arith.constant 0 : i32
      %dma_start3A_50 = tpu.memref_slice %run_scoped3A[%rem3A_38, %dma_start3A_48, %dma_start3A_49] : memref<2x1x128xi32, #tpu.memory_space<vmem>> -> memref<1x1x128xi32, #tpu.memory_space<vmem>>
      %dma_start3A_51 = tpu.memref_squeeze %dma_start3A_50 : memref<1x1x128xi32, #tpu.memory_space<vmem>> -> memref<1x128xi32, #tpu.memory_space<vmem>>
      %dma_start3A_52 = arith.constant 0 : i32
      %dma_start3A_53 = tpu.memref_slice %arg3[%dma_start3A_52, %mul3A_40] : memref<1x16384xi32, #tpu.memory_space<hbm>> -> memref<1x128xi32, #tpu.memory_space<hbm>>
      tpu.enqueue_dma source(%dma_start3A_53 : memref<1x128xi32, #tpu.memory_space<hbm>>) target(%dma_start3A_51 : memref<1x128xi32, #tpu.memory_space<vmem>>) target_semaphore(%dma_start3A_47 : memref<!tpu.dma_semaphore, #tpu.memory_space<semaphore_mem>>)
      %add3A_54 = arith.constant 0 : i32
      %add3A_55 = arith.constant 1 : i32
      %add3A_56 = arith.addi %add3A_54, %add3A_55 : i32
      %select_n3A_57 = arith.constant true
      %select_n3A_58 = arith.constant 0 : i32
      %select_n3A_59 = arith.select %select_n3A_57, %add3A_56, %select_n3A_58 : i32
      "tpu.trace_stop"() : () -> ()
      %scan3A = arith.constant 0 : i32
      %scan3A_60 = arith.constant 0 : i32
      %scan3A_61 = arith.constant 0 : i32
      %scan3A_62 = arith.constant 0 : i32
      %scan3A_63 = arith.constant 0 : i32
      %scan3A_64 = arith.constant 4 : i32
      %scan3A_65 = arith.addi %scan3A_63, %scan3A_64 : i32
      %scan3A_66 = arith.constant 1 : i32
      %scan3A_67:5 = scf.for %scan3A_121 = %scan3A_63 to %scan3A_65 step %scan3A_66 iter_args(%scan3A_122 = %select_n3A_59, %scan3A_123 = %scan3A, %scan3A_124 = %scan3A_60, %scan3A_125 = %scan3A_61, %scan3A_126 = %scan3A_62) -> (i32, i32, i32, i32, i32)  : i32 {
        %eq3A_127 = arith.constant 0 : i32
        %eq3A_128 = arith.cmpi eq, %scan3A_121, %eq3A_127 : i32
        %eq3A_129 = arith.constant 3 : i32
        %eq3A_130 = arith.cmpi eq, %scan3A_121, %eq3A_129 : i32
        %add3A_131 = arith.addi %scan3A_126, %mul3A_6 : i32
        %sub3A_132 = arith.constant 1 : i32
        %sub3A_133 = arith.subi %scan3A_126, %sub3A_132 : i32
        %select_n3A_134 = arith.constant true
        %select_n3A_135 = arith.select %select_n3A_134, %sub3A_133, %scan3A_126 : i32
        %eq3A_136 = arith.constant -1 : i32
        %eq3A_137 = arith.cmpi eq, %select_n3A_135, %eq3A_136 : i32
        %select_n3A_138 = arith.constant 3 : i32
        %select_n3A_139 = arith.select %eq3A_137, %select_n3A_138, %select_n3A_135 : i32
        %add3A_140 = arith.addi %select_n3A_139, %mul3A_6 : i32
        %add3A_141 = arith.constant 1 : i32
        %add3A_142 = arith.addi %scan3A_126, %add3A_141 : i32
        %select_n3A_143 = arith.constant true
        %select_n3A_144 = arith.select %select_n3A_143, %add3A_142, %scan3A_126 : i32
        %eq3A_145 = arith.constant 4 : i32
        %eq3A_146 = arith.cmpi eq, %select_n3A_144, %eq3A_145 : i32
        %select_n3A_147 = arith.constant 0 : i32
        %select_n3A_148 = arith.select %eq3A_146, %select_n3A_147, %select_n3A_144 : i32
        %add3A_149 = arith.addi %select_n3A_148, %mul3A_6 : i32
        %add3A_150 = arith.constant 1 : i32
        %add3A_151 = arith.addi %select_n3A_148, %add3A_150 : i32
        %select_n3A_152 = arith.constant true
        %select_n3A_153 = arith.select %select_n3A_152, %add3A_151, %select_n3A_148 : i32
        %eq3A_154 = arith.constant 4 : i32
        %eq3A_155 = arith.cmpi eq, %select_n3A_153, %eq3A_154 : i32
        %select_n3A_156 = arith.constant 0 : i32
        %select_n3A_157 = arith.select %eq3A_155, %select_n3A_156, %select_n3A_153 : i32
        %add3A_158 = arith.addi %select_n3A_157, %mul3A_6 : i32
        %ne3A = arith.cmpi ne, %add3A_131, %add3A_149 : i32
        %or3A = arith.constant false
        %or3A_159 = arith.ori %or3A, %ne3A : i1
        %ge3A = arith.constant 3 : i32
        %ge3A_160 = arith.cmpi sge, %scan3A_121, %ge3A : i32
        %not3A = arith.constant true
        %not3A_161 = arith.xori %ge3A_160, %not3A : i1
        %and3A = arith.andi %or3A_159, %not3A_161 : i1
        %convert_element_type3A = arith.extui %and3A : i1 to i32
        %cond3A = arith.constant 0 : i32
        %cond3A_162 = arith.cmpi ne, %convert_element_type3A, %cond3A : i32
        scf.if %cond3A_162 {
          "tpu.trace_start"() <{level = 10 : i32, message = "ep_copy_in"}> : () -> ()
          %rem3A_264 = arith.constant 2 : i32
          %rem3A_265 = arith.remui %scan3A_122, %rem3A_264 : i32
          %mul3A_266 = arith.constant 128 : i32
          %mul3A_267 = arith.muli %mul3A_266, %add3A_149 : i32
          %dma_start3A_268 = arith.constant 0 : i32
          %dma_start3A_269 = arith.constant 0 : i32
          %dma_start3A_270 = tpu.memref_slice %run_scoped3A[%rem3A_265, %dma_start3A_268, %dma_start3A_269] : memref<2x1x128xi32, #tpu.memory_space<vmem>> -> memref<1x1x128xi32, #tpu.memory_space<vmem>>
          %dma_start3A_271 = tpu.memref_squeeze %dma_start3A_270 : memref<1x1x128xi32, #tpu.memory_space<vmem>> -> memref<1x128xi32, #tpu.memory_space<vmem>>
          %dma_start3A_272 = arith.constant 0 : i32
          %dma_start3A_273 = tpu.memref_slice %arg3[%dma_start3A_272, %mul3A_267] : memref<1x16384xi32, #tpu.memory_space<hbm>> -> memref<1x128xi32, #tpu.memory_space<hbm>>
          %dma_start3A_274 = tpu.memref_slice %run_scoped3A_7[%rem3A_265] : memref<2x!tpu.dma_semaphore, #tpu.memory_space<semaphore_mem>> -> memref<1x!tpu.dma_semaphore, #tpu.memory_space<semaphore_mem>>
          %dma_start3A_275 = tpu.memref_squeeze %dma_start3A_274 : memref<1x!tpu.dma_semaphore, #tpu.memory_space<semaphore_mem>> -> memref<!tpu.dma_semaphore, #tpu.memory_space<semaphore_mem>>
          %dma_start3A_276 = arith.constant 0 : i32
          %dma_start3A_277 = arith.constant 0 : i32
          %dma_start3A_278 = tpu.memref_slice %run_scoped3A[%rem3A_265, %dma_start3A_276, %dma_start3A_277] : memref<2x1x128xi32, #tpu.memory_space<vmem>> -> memref<1x1x128xi32, #tpu.memory_space<vmem>>
          %dma_start3A_279 = tpu.memref_squeeze %dma_start3A_278 : memref<1x1x128xi32, #tpu.memory_space<vmem>> -> memref<1x128xi32, #tpu.memory_space<vmem>>
          %dma_start3A_280 = arith.constant 0 : i32
          %dma_start3A_281 = tpu.memref_slice %arg3[%dma_start3A_280, %mul3A_267] : memref<1x16384xi32, #tpu.memory_space<hbm>> -> memref<1x128xi32, #tpu.memory_space<hbm>>
          tpu.enqueue_dma source(%dma_start3A_281 : memref<1x128xi32, #tpu.memory_space<hbm>>) target(%dma_start3A_279 : memref<1x128xi32, #tpu.memory_space<vmem>>) target_semaphore(%dma_start3A_275 : memref<!tpu.dma_semaphore, #tpu.memory_space<semaphore_mem>>)
          "tpu.trace_stop"() : () -> ()
        } else {
        }
        %and3A_163 = arith.constant true
        %and3A_164 = arith.andi %and3A, %and3A_163 : i1
        %add3A_165 = arith.constant 1 : i32
        %add3A_166 = arith.addi %scan3A_122, %add3A_165 : i32
        %select_n3A_167 = arith.select %and3A_164, %add3A_166, %scan3A_122 : i32
        %ne3A_168 = arith.cmpi ne, %add3A_131, %add3A_149 : i32
        %or3A_169 = arith.constant false
        %or3A_170 = arith.ori %or3A_169, %ne3A_168 : i1
        %or3A_171 = arith.constant false
        %or3A_172 = arith.ori %or3A_170, %or3A_171 : i1
        %ge3A_173 = arith.constant 3 : i32
        %ge3A_174 = arith.cmpi sge, %scan3A_121, %ge3A_173 : i32
        %not3A_175 = arith.constant true
        %not3A_176 = arith.xori %ge3A_174, %not3A_175 : i1
        %and3A_177 = arith.andi %or3A_172, %not3A_176 : i1
        %ne3A_178 = arith.cmpi ne, %add3A_131, %add3A_140 : i32
        %or3A_179 = arith.constant false
        %or3A_180 = arith.ori %or3A_179, %ne3A_178 : i1
        %or3A_181 = arith.ori %or3A_180, %eq3A_128 : i1
        %convert_element_type3A_182 = arith.extui %or3A_181 : i1 to i32
        %cond3A_183 = arith.constant 0 : i32
        %cond3A_184 = arith.cmpi ne, %convert_element_type3A_182, %cond3A_183 : i32
        scf.if %cond3A_184 {
          "tpu.trace_start"() <{level = 10 : i32, message = "ep_wait_in"}> : () -> ()
          %mul3A_264 = arith.constant 128 : i32
          %mul3A_265 = arith.muli %mul3A_264, %add3A_131 : i32
          %rem3A_266 = arith.constant 2 : i32
          %rem3A_267 = arith.remui %scan3A_123, %rem3A_266 : i32
          %dma_wait3A_268 = arith.constant 0 : i32
          %dma_wait3A_269 = arith.constant 0 : i32
          %dma_wait3A_270 = tpu.memref_slice %run_scoped3A[%rem3A_267, %dma_wait3A_268, %dma_wait3A_269] : memref<2x1x128xi32, #tpu.memory_space<vmem>> -> memref<1x1x128xi32, #tpu.memory_space<vmem>>
          %dma_wait3A_271 = tpu.memref_squeeze %dma_wait3A_270 : memref<1x1x128xi32, #tpu.memory_space<vmem>> -> memref<1x128xi32, #tpu.memory_space<vmem>>
          %dma_wait3A_272 = arith.constant 0 : i32
          %dma_wait3A_273 = tpu.memref_slice %arg3[%dma_wait3A_272, %mul3A_265] : memref<1x16384xi32, #tpu.memory_space<hbm>> -> memref<1x128xi32, #tpu.memory_space<hbm>>
          %dma_wait3A_274 = tpu.memref_slice %run_scoped3A_7[%rem3A_267] : memref<2x!tpu.dma_semaphore, #tpu.memory_space<semaphore_mem>> -> memref<1x!tpu.dma_semaphore, #tpu.memory_space<semaphore_mem>>
          %dma_wait3A_275 = tpu.memref_squeeze %dma_wait3A_274 : memref<1x!tpu.dma_semaphore, #tpu.memory_space<semaphore_mem>> -> memref<!tpu.dma_semaphore, #tpu.memory_space<semaphore_mem>>
          %dma_wait3A_276 = arith.constant 0 : i32
          %dma_wait3A_277 = arith.constant 0 : i32
          %dma_wait3A_278 = tpu.memref_slice %run_scoped3A[%rem3A_267, %dma_wait3A_276, %dma_wait3A_277] : memref<2x1x128xi32, #tpu.memory_space<vmem>> -> memref<1x1x128xi32, #tpu.memory_space<vmem>>
          %dma_wait3A_279 = tpu.memref_squeeze %dma_wait3A_278 : memref<1x1x128xi32, #tpu.memory_space<vmem>> -> memref<1x128xi32, #tpu.memory_space<vmem>>
          %dma_wait3A_280 = arith.constant 0 : i32
          %dma_wait3A_281 = tpu.memref_slice %arg3[%dma_wait3A_280, %mul3A_265] : memref<1x16384xi32, #tpu.memory_space<hbm>> -> memref<1x128xi32, #tpu.memory_space<hbm>>
          tpu.wait_dma2 semaphore(%dma_wait3A_275 : memref<!tpu.dma_semaphore, #tpu.memory_space<semaphore_mem>>) src(%dma_wait3A_281 : memref<1x128xi32, #tpu.memory_space<hbm>>) dst(%dma_wait3A_279 : memref<1x128xi32, #tpu.memory_space<vmem>>)
          "tpu.trace_stop"() : () -> ()
        } else {
        }
        %ne3A_185 = arith.cmpi ne, %add3A_131, %add3A_140 : i32
        %or3A_186 = arith.constant false
        %or3A_187 = arith.ori %or3A_186, %ne3A_185 : i1
        %or3A_188 = arith.constant false
        %or3A_189 = arith.ori %or3A_187, %or3A_188 : i1
        %or3A_190 = arith.ori %or3A_189, %eq3A_128 : i1
        %convert_element_type3A_191 = arith.extui %or3A_190 : i1 to i32
        %cond3A_192 = arith.constant 0 : i32
        %cond3A_193 = arith.cmpi ne, %convert_element_type3A_191, %cond3A_192 : i32
        scf.if %cond3A_193 {
        } else {
        }
        %rem3A_194 = arith.constant 2 : i32
        %rem3A_195 = arith.remui %scan3A_123, %rem3A_194 : i32
        %rem3A_196 = arith.constant 2 : i32
        %rem3A_197 = arith.remui %scan3A_124, %rem3A_196 : i32
        %run_scoped3A_198 = arith.constant 0 : i32
        "tpu.trace_start"() <{level = 10 : i32, message = "ep_run_kernel"}> : () -> ()
        "tpu.region"() ({
          %run_scoped3A_264 = tpu.sem_alloc : memref<!tpu.dma_semaphore, #tpu.memory_space<semaphore_mem>>
          %dma_start3A_265 = arith.constant 0 : i32
          %dma_start3A_266 = arith.constant 0 : i32
          %dma_start3A_267 = tpu.memref_slice %run_scoped3A_8[%rem3A_197, %dma_start3A_265, %dma_start3A_266] : memref<2x128x256xi32, #tpu.memory_space<vmem>> -> memref<1x128x256xi32, #tpu.memory_space<vmem>>
          %dma_start3A_268 = tpu.memref_squeeze %dma_start3A_267 : memref<1x128x256xi32, #tpu.memory_space<vmem>> -> memref<128x256xi32, #tpu.memory_space<vmem>>
          %dma_start3A_269 = arith.constant 0 : i32
          %dma_start3A_270 = arith.constant 0 : i32
          %dma_start3A_271 = tpu.memref_slice %run_scoped3A[%rem3A_195, %dma_start3A_269, %dma_start3A_270] : memref<2x1x128xi32, #tpu.memory_space<vmem>> -> memref<1x1x128xi32, #tpu.memory_space<vmem>>
          %dma_start3A_272 = tpu.memref_squeeze %dma_start3A_271 : memref<1x1x128xi32, #tpu.memory_space<vmem>> -> memref<1x128xi32, #tpu.memory_space<vmem>>
          %dma_start3A_273 = arith.constant 0 : i32
          %dma_start3A_274 = tpu.memref_slice %dma_start3A_272[%run_scoped3A_198, %dma_start3A_273] : memref<1x128xi32, #tpu.memory_space<vmem>> -> memref<1x128xi32, #tpu.memory_space<vmem>>
          %dma_start3A_275 = tpu.memref_squeeze %dma_start3A_274 : memref<1x128xi32, #tpu.memory_space<vmem>> -> memref<128xi32, #tpu.memory_space<vmem>>
          %dma_start3A_276 = arith.constant 0 : i32
          %dma_start3A_277 = arith.constant 0 : i32
          %dma_start3A_278 = tpu.memref_slice %arg2[%dma_start3A_276, %dma_start3A_277] : memref<24576x256xi32, #tpu.memory_space<hbm>> -> memref<24576x256xi32, #tpu.memory_space<hbm>>
          tpu.enqueue_indirect_dma source(%dma_start3A_278 : memref<24576x256xi32, #tpu.memory_space<hbm>>) target(%dma_start3A_268 : memref<128x256xi32, #tpu.memory_space<vmem>>) offsets(%dma_start3A_275 : memref<128xi32, #tpu.memory_space<vmem>>) semaphore(%run_scoped3A_264 : memref<!tpu.dma_semaphore, #tpu.memory_space<semaphore_mem>>)
          %dma_wait3A_279 = arith.constant 0 : i32
          %dma_wait3A_280 = arith.constant 0 : i32
          %dma_wait3A_281 = tpu.memref_slice %run_scoped3A_8[%rem3A_197, %dma_wait3A_279, %dma_wait3A_280] : memref<2x128x256xi32, #tpu.memory_space<vmem>> -> memref<1x128x256xi32, #tpu.memory_space<vmem>>
          %dma_wait3A_282 = tpu.memref_squeeze %dma_wait3A_281 : memref<1x128x256xi32, #tpu.memory_space<vmem>> -> memref<128x256xi32, #tpu.memory_space<vmem>>
          %dma_wait3A_283 = arith.constant 0 : i32
          %dma_wait3A_284 = arith.constant 0 : i32
          %dma_wait3A_285 = tpu.memref_slice %run_scoped3A[%rem3A_195, %dma_wait3A_283, %dma_wait3A_284] : memref<2x1x128xi32, #tpu.memory_space<vmem>> -> memref<1x1x128xi32, #tpu.memory_space<vmem>>
          %dma_wait3A_286 = tpu.memref_squeeze %dma_wait3A_285 : memref<1x1x128xi32, #tpu.memory_space<vmem>> -> memref<1x128xi32, #tpu.memory_space<vmem>>
          %dma_wait3A_287 = arith.constant 0 : i32
          %dma_wait3A_288 = tpu.memref_slice %dma_wait3A_286[%run_scoped3A_198, %dma_wait3A_287] : memref<1x128xi32, #tpu.memory_space<vmem>> -> memref<1x128xi32, #tpu.memory_space<vmem>>
          %dma_wait3A_289 = tpu.memref_squeeze %dma_wait3A_288 : memref<1x128xi32, #tpu.memory_space<vmem>> -> memref<128xi32, #tpu.memory_space<vmem>>
          %dma_wait3A_290 = arith.constant 0 : i32
          %dma_wait3A_291 = arith.constant 0 : i32
          %dma_wait3A_292 = tpu.memref_slice %arg2[%dma_wait3A_290, %dma_wait3A_291] : memref<24576x256xi32, #tpu.memory_space<hbm>> -> memref<24576x256xi32, #tpu.memory_space<hbm>>
          tpu.wait_indirect_dma semaphore(%run_scoped3A_264 : memref<!tpu.dma_semaphore, #tpu.memory_space<semaphore_mem>>) src(%dma_wait3A_292 : memref<24576x256xi32, #tpu.memory_space<hbm>>) dst(%dma_wait3A_282 : memref<128x256xi32, #tpu.memory_space<vmem>>)
          tpu.yield
        }) : () -> ()
        "tpu.trace_stop"() : () -> ()
        %ne3A_199 = arith.cmpi ne, %add3A_131, %add3A_149 : i32
        %or3A_200 = arith.constant false
        %or3A_201 = arith.ori %or3A_200, %ne3A_199 : i1
        %or3A_202 = arith.ori %or3A_201, %eq3A_130 : i1
        %convert_element_type3A_203 = arith.extui %or3A_202 : i1 to i32
        %cond3A_204 = arith.constant 0 : i32
        %cond3A_205 = arith.cmpi ne, %convert_element_type3A_203, %cond3A_204 : i32
        scf.if %cond3A_205 {
        } else {
        }
        %and3A_206 = arith.constant false
        %and3A_207 = arith.andi %or3A_202, %and3A_206 : i1
        %ne3A_208 = arith.cmpi ne, %add3A_131, %add3A_149 : i32
        %or3A_209 = arith.constant false
        %or3A_210 = arith.ori %or3A_209, %ne3A_208 : i1
        %or3A_211 = arith.constant false
        %or3A_212 = arith.ori %or3A_210, %or3A_211 : i1
        %or3A_213 = arith.ori %or3A_212, %eq3A_130 : i1
        %convert_element_type3A_214 = arith.extui %or3A_213 : i1 to i32
        %cond3A_215 = arith.constant 0 : i32
        %cond3A_216 = arith.cmpi ne, %convert_element_type3A_214, %cond3A_215 : i32
        scf.if %cond3A_216 {
          "tpu.trace_start"() <{level = 10 : i32, message = "ep_copy_out"}> : () -> ()
          %rem3A_264 = arith.constant 2 : i32
          %rem3A_265 = arith.remui %scan3A_124, %rem3A_264 : i32
          %mul3A_266 = arith.constant 128 : i32
          %mul3A_267 = arith.muli %mul3A_266, %add3A_131 : i32
          %dma_start3A_268 = arith.constant 0 : i32
          %dma_start3A_269 = arith.constant 0 : i32
          %dma_start3A_270 = tpu.memref_slice %run_scoped3A_8[%rem3A_265, %dma_start3A_268, %dma_start3A_269] : memref<2x128x256xi32, #tpu.memory_space<vmem>> -> memref<1x128x256xi32, #tpu.memory_space<vmem>>
          %dma_start3A_271 = tpu.memref_squeeze %dma_start3A_270 : memref<1x128x256xi32, #tpu.memory_space<vmem>> -> memref<128x256xi32, #tpu.memory_space<vmem>>
          %dma_start3A_272 = arith.constant 0 : i32
          %dma_start3A_273 = tpu.memref_slice %arg4[%mul3A_267, %dma_start3A_272] : memref<16384x256xi32, #tpu.memory_space<hbm>> -> memref<128x256xi32, #tpu.memory_space<hbm>>
          %dma_start3A_274 = tpu.memref_slice %run_scoped3A_9[%rem3A_265] : memref<2x!tpu.dma_semaphore, #tpu.memory_space<semaphore_mem>> -> memref<1x!tpu.dma_semaphore, #tpu.memory_space<semaphore_mem>>
          %dma_start3A_275 = tpu.memref_squeeze %dma_start3A_274 : memref<1x!tpu.dma_semaphore, #tpu.memory_space<semaphore_mem>> -> memref<!tpu.dma_semaphore, #tpu.memory_space<semaphore_mem>>
          %dma_start3A_276 = arith.constant 0 : i32
          %dma_start3A_277 = tpu.memref_slice %arg4[%mul3A_267, %dma_start3A_276] : memref<16384x256xi32, #tpu.memory_space<hbm>> -> memref<128x256xi32, #tpu.memory_space<hbm>>
          %dma_start3A_278 = arith.constant 0 : i32
          %dma_start3A_279 = arith.constant 0 : i32
          %dma_start3A_280 = tpu.memref_slice %run_scoped3A_8[%rem3A_265, %dma_start3A_278, %dma_start3A_279] : memref<2x128x256xi32, #tpu.memory_space<vmem>> -> memref<1x128x256xi32, #tpu.memory_space<vmem>>
          %dma_start3A_281 = tpu.memref_squeeze %dma_start3A_280 : memref<1x128x256xi32, #tpu.memory_space<vmem>> -> memref<128x256xi32, #tpu.memory_space<vmem>>
          tpu.enqueue_dma source(%dma_start3A_281 : memref<128x256xi32, #tpu.memory_space<vmem>>) target(%dma_start3A_277 : memref<128x256xi32, #tpu.memory_space<hbm>>) target_semaphore(%dma_start3A_275 : memref<!tpu.dma_semaphore, #tpu.memory_space<semaphore_mem>>)
          "tpu.trace_stop"() : () -> ()
        } else {
        }
        %and3A_217 = arith.constant true
        %and3A_218 = arith.andi %or3A_213, %and3A_217 : i1
        %add3A_219 = arith.constant 1 : i32
        %add3A_220 = arith.addi %scan3A_124, %add3A_219 : i32
        %select_n3A_221 = arith.select %and3A_218, %add3A_220, %scan3A_124 : i32
        %ne3A_222 = arith.cmpi ne, %add3A_131, %add3A_140 : i32
        %or3A_223 = arith.constant false
        %or3A_224 = arith.ori %or3A_223, %ne3A_222 : i1
        %not3A_225 = arith.constant true
        %not3A_226 = arith.xori %eq3A_128, %not3A_225 : i1
        %and3A_227 = arith.andi %or3A_224, %not3A_226 : i1
        %convert_element_type3A_228 = arith.extui %and3A_227 : i1 to i32
        %cond3A_229 = arith.constant 0 : i32
        %cond3A_230 = arith.cmpi ne, %convert_element_type3A_228, %cond3A_229 : i32
        scf.if %cond3A_230 {
        } else {
        }
        %and3A_231 = arith.constant false
        %and3A_232 = arith.andi %and3A_227, %and3A_231 : i1
        %ne3A_233 = arith.cmpi ne, %add3A_131, %add3A_140 : i32
        %or3A_234 = arith.constant false
        %or3A_235 = arith.ori %or3A_234, %ne3A_233 : i1
        %or3A_236 = arith.constant false
        %or3A_237 = arith.ori %or3A_235, %or3A_236 : i1
        %not3A_238 = arith.constant true
        %not3A_239 = arith.xori %eq3A_128, %not3A_238 : i1
        %and3A_240 = arith.andi %or3A_237, %not3A_239 : i1
        %convert_element_type3A_241 = arith.extui %and3A_240 : i1 to i32
        %cond3A_242 = arith.constant 0 : i32
        %cond3A_243 = arith.cmpi ne, %convert_element_type3A_241, %cond3A_242 : i32
        scf.if %cond3A_243 {
          "tpu.trace_start"() <{level = 10 : i32, message = "ep_wait_out"}> : () -> ()
          %rem3A_264 = arith.constant 2 : i32
          %rem3A_265 = arith.remui %scan3A_125, %rem3A_264 : i32
          %mul3A_266 = arith.constant 128 : i32
          %mul3A_267 = arith.muli %mul3A_266, %add3A_140 : i32
          %dma_wait3A_268 = arith.constant 0 : i32
          %dma_wait3A_269 = arith.constant 0 : i32
          %dma_wait3A_270 = tpu.memref_slice %run_scoped3A_8[%rem3A_265, %dma_wait3A_268, %dma_wait3A_269] : memref<2x128x256xi32, #tpu.memory_space<vmem>> -> memref<1x128x256xi32, #tpu.memory_space<vmem>>
          %dma_wait3A_271 = tpu.memref_squeeze %dma_wait3A_270 : memref<1x128x256xi32, #tpu.memory_space<vmem>> -> memref<128x256xi32, #tpu.memory_space<vmem>>
          %dma_wait3A_272 = arith.constant 0 : i32
          %dma_wait3A_273 = tpu.memref_slice %arg4[%mul3A_267, %dma_wait3A_272] : memref<16384x256xi32, #tpu.memory_space<hbm>> -> memref<128x256xi32, #tpu.memory_space<hbm>>
          %dma_wait3A_274 = tpu.memref_slice %run_scoped3A_9[%rem3A_265] : memref<2x!tpu.dma_semaphore, #tpu.memory_space<semaphore_mem>> -> memref<1x!tpu.dma_semaphore, #tpu.memory_space<semaphore_mem>>
          %dma_wait3A_275 = tpu.memref_squeeze %dma_wait3A_274 : memref<1x!tpu.dma_semaphore, #tpu.memory_space<semaphore_mem>> -> memref<!tpu.dma_semaphore, #tpu.memory_space<semaphore_mem>>
          %dma_wait3A_276 = arith.constant 0 : i32
          %dma_wait3A_277 = tpu.memref_slice %arg4[%mul3A_267, %dma_wait3A_276] : memref<16384x256xi32, #tpu.memory_space<hbm>> -> memref<128x256xi32, #tpu.memory_space<hbm>>
          %dma_wait3A_278 = arith.constant 0 : i32
          %dma_wait3A_279 = arith.constant 0 : i32
          %dma_wait3A_280 = tpu.memref_slice %run_scoped3A_8[%rem3A_265, %dma_wait3A_278, %dma_wait3A_279] : memref<2x128x256xi32, #tpu.memory_space<vmem>> -> memref<1x128x256xi32, #tpu.memory_space<vmem>>
          %dma_wait3A_281 = tpu.memref_squeeze %dma_wait3A_280 : memref<1x128x256xi32, #tpu.memory_space<vmem>> -> memref<128x256xi32, #tpu.memory_space<vmem>>
          tpu.wait_dma2 semaphore(%dma_wait3A_275 : memref<!tpu.dma_semaphore, #tpu.memory_space<semaphore_mem>>) src(%dma_wait3A_281 : memref<128x256xi32, #tpu.memory_space<vmem>>) dst(%dma_wait3A_277 : memref<128x256xi32, #tpu.memory_space<hbm>>)
          "tpu.trace_stop"() : () -> ()
        } else {
        }
        %and3A_244 = arith.constant true
        %and3A_245 = arith.andi %and3A_240, %and3A_244 : i1
        %add3A_246 = arith.constant 1 : i32
        %add3A_247 = arith.addi %scan3A_125, %add3A_246 : i32
        %select_n3A_248 = arith.select %and3A_245, %add3A_247, %scan3A_125 : i32
        %ne3A_249 = arith.cmpi ne, %add3A_131, %add3A_149 : i32
        %or3A_250 = arith.constant false
        %or3A_251 = arith.ori %or3A_250, %ne3A_249 : i1
        %or3A_252 = arith.ori %or3A_251, %eq3A_130 : i1
        %add3A_253 = arith.constant 1 : i32
        %add3A_254 = arith.addi %scan3A_123, %add3A_253 : i32
        %select_n3A_255 = arith.select %or3A_252, %add3A_254, %scan3A_123 : i32
        %add3A_256 = arith.constant 1 : i32
        %add3A_257 = arith.addi %scan3A_126, %add3A_256 : i32
        %select_n3A_258 = arith.constant true
        %select_n3A_259 = arith.select %select_n3A_258, %add3A_257, %scan3A_126 : i32
        %eq3A_260 = arith.constant 4 : i32
        %eq3A_261 = arith.cmpi eq, %select_n3A_259, %eq3A_260 : i32
        %select_n3A_262 = arith.constant 0 : i32
        %select_n3A_263 = arith.select %eq3A_261, %select_n3A_262, %select_n3A_259 : i32
        scf.yield %select_n3A_167, %select_n3A_255, %select_n3A_221, %select_n3A_248, %select_n3A_263 : i32, i32, i32, i32, i32
      }
      %scan3A_68 = arith.constant 4 : i32
      %sub3A = arith.constant 1 : i32
      %sub3A_69 = arith.subi %scan3A_67#4, %sub3A : i32
      %select_n3A_70 = arith.constant true
      %select_n3A_71 = arith.select %select_n3A_70, %sub3A_69, %scan3A_67#4 : i32
      %eq3A_72 = arith.constant -1 : i32
      %eq3A_73 = arith.cmpi eq, %select_n3A_71, %eq3A_72 : i32
      %select_n3A_74 = arith.constant 3 : i32
      %select_n3A_75 = arith.select %eq3A_73, %select_n3A_74, %select_n3A_71 : i32
      %add3A_76 = arith.addi %select_n3A_75, %mul3A_6 : i32
      %sub3A_77 = arith.constant 1 : i32
      %sub3A_78 = arith.subi %select_n3A_75, %sub3A_77 : i32
      %select_n3A_79 = arith.constant true
      %select_n3A_80 = arith.select %select_n3A_79, %sub3A_78, %select_n3A_75 : i32
      %eq3A_81 = arith.constant -1 : i32
      %eq3A_82 = arith.cmpi eq, %select_n3A_80, %eq3A_81 : i32
      %select_n3A_83 = arith.constant 3 : i32
      %select_n3A_84 = arith.select %eq3A_82, %select_n3A_83, %select_n3A_80 : i32
      %add3A_85 = arith.addi %select_n3A_84, %mul3A_6 : i32
      %add3A_86 = arith.constant 1 : i32
      %add3A_87 = arith.addi %select_n3A_75, %add3A_86 : i32
      %select_n3A_88 = arith.constant true
      %select_n3A_89 = arith.select %select_n3A_88, %add3A_87, %select_n3A_75 : i32
      %eq3A_90 = arith.constant 4 : i32
      %eq3A_91 = arith.cmpi eq, %select_n3A_89, %eq3A_90 : i32
      %select_n3A_92 = arith.constant 0 : i32
      %select_n3A_93 = arith.select %eq3A_91, %select_n3A_92, %select_n3A_89 : i32
      %add3A_94 = arith.addi %select_n3A_93, %mul3A_6 : i32
      %add3A_95 = arith.constant 1 : i32
      %add3A_96 = arith.addi %select_n3A_93, %add3A_95 : i32
      %select_n3A_97 = arith.constant true
      %select_n3A_98 = arith.select %select_n3A_97, %add3A_96, %select_n3A_93 : i32
      %eq3A_99 = arith.constant 4 : i32
      %eq3A_100 = arith.cmpi eq, %select_n3A_98, %eq3A_99 : i32
      %select_n3A_101 = arith.constant 0 : i32
      %select_n3A_102 = arith.select %eq3A_100, %select_n3A_101, %select_n3A_98 : i32
      %add3A_103 = arith.addi %select_n3A_102, %mul3A_6 : i32
      "tpu.trace_start"() <{level = 10 : i32, message = "ep_finalize"}> : () -> ()
      %rem3A_104 = arith.constant 2 : i32
      %rem3A_105 = arith.remui %scan3A_67#3, %rem3A_104 : i32
      %mul3A_106 = arith.constant 128 : i32
      %mul3A_107 = arith.muli %mul3A_106, %add3A_76 : i32
      %dma_wait3A = arith.constant 0 : i32
      %dma_wait3A_108 = arith.constant 0 : i32
      %dma_wait3A_109 = tpu.memref_slice %run_scoped3A_8[%rem3A_105, %dma_wait3A, %dma_wait3A_108] : memref<2x128x256xi32, #tpu.memory_space<vmem>> -> memref<1x128x256xi32, #tpu.memory_space<vmem>>
      %dma_wait3A_110 = tpu.memref_squeeze %dma_wait3A_109 : memref<1x128x256xi32, #tpu.memory_space<vmem>> -> memref<128x256xi32, #tpu.memory_space<vmem>>
      %dma_wait3A_111 = arith.constant 0 : i32
      %dma_wait3A_112 = tpu.memref_slice %arg4[%mul3A_107, %dma_wait3A_111] : memref<16384x256xi32, #tpu.memory_space<hbm>> -> memref<128x256xi32, #tpu.memory_space<hbm>>
      %dma_wait3A_113 = tpu.memref_slice %run_scoped3A_9[%rem3A_105] : memref<2x!tpu.dma_semaphore, #tpu.memory_space<semaphore_mem>> -> memref<1x!tpu.dma_semaphore, #tpu.memory_space<semaphore_mem>>
      %dma_wait3A_114 = tpu.memref_squeeze %dma_wait3A_113 : memref<1x!tpu.dma_semaphore, #tpu.memory_space<semaphore_mem>> -> memref<!tpu.dma_semaphore, #tpu.memory_space<semaphore_mem>>
      %dma_wait3A_115 = arith.constant 0 : i32
      %dma_wait3A_116 = tpu.memref_slice %arg4[%mul3A_107, %dma_wait3A_115] : memref<16384x256xi32, #tpu.memory_space<hbm>> -> memref<128x256xi32, #tpu.memory_space<hbm>>
      %dma_wait3A_117 = arith.constant 0 : i32
      %dma_wait3A_118 = arith.constant 0 : i32
      %dma_wait3A_119 = tpu.memref_slice %run_scoped3A_8[%rem3A_105, %dma_wait3A_117, %dma_wait3A_118] : memref<2x128x256xi32, #tpu.memory_space<vmem>> -> memref<1x128x256xi32, #tpu.memory_space<vmem>>
      %dma_wait3A_120 = tpu.memref_squeeze %dma_wait3A_119 : memref<1x128x256xi32, #tpu.memory_space<vmem>> -> memref<128x256xi32, #tpu.memory_space<vmem>>
      tpu.wait_dma2 semaphore(%dma_wait3A_114 : memref<!tpu.dma_semaphore, #tpu.memory_space<semaphore_mem>>) src(%dma_wait3A_120 : memref<128x256xi32, #tpu.memory_space<vmem>>) dst(%dma_wait3A_116 : memref<128x256xi32, #tpu.memory_space<hbm>>)
      "tpu.trace_stop"() : () -> ()
      tpu.yield
    }) : () -> ()
    return
  }
}

#map = affine_map<(d0, d1) -> (0, 0)>
module attributes {stable_mosaic.version = 14 : i64} {
  func.func @k(%arg0: i32, %arg1: i32, %arg2: memref<8192x256xi32, #tpu.memory_space<hbm>>, %arg3: memref<1x24576xi32, #tpu.memory_space<hbm>>, %arg4: memref<24576x256xi32, #tpu.memory_space<hbm>>) attributes {dimension_semantics = [#tpu.dimension_semantics<core_parallel>, #tpu.dimension_semantics<subcore_parallel>], iteration_bounds = array<i64: 2, 16>, scalar_prefetch = 0 : i64, scratch_operands = 0 : i64, tpu.core_type = #tpu.core_type<sc_vector_subcore>, window_params = [{transform_indices = #map}, {transform_indices = #map}, {transform_indices = #map}]} {
    %mul3A = arith.constant 1 : i32
    %mul3A_0 = arith.muli %arg1, %mul3A : i32
    %add3A = arith.constant 0 : i32
    %add3A_1 = arith.addi %add3A, %mul3A_0 : i32
    %mul3A_2 = arith.constant 16 : i32
    %mul3A_3 = arith.muli %arg0, %mul3A_2 : i32
    %add3A_4 = arith.addi %add3A_1, %mul3A_3 : i32
    %mul3A_5 = arith.constant 6 : i32
    %mul3A_6 = arith.muli %add3A_4, %mul3A_5 : i32
    "tpu.region"() ({
      %run_scoped3A = memref.alloca() : memref<2x1x128xi32, #tpu.memory_space<vmem>>
      %run_scoped3A_7 = tpu.sem_alloc : memref<2x!tpu.dma_semaphore, #tpu.memory_space<semaphore_mem>>
      %run_scoped3A_8 = memref.alloca() : memref<2x128x256xi32, #tpu.memory_space<vmem>>
      %run_scoped3A_9 = tpu.sem_alloc : memref<2x!tpu.dma_semaphore, #tpu.memory_space<semaphore_mem>>
      %add3A_10 = arith.constant 0 : i32
      %add3A_11 = arith.addi %add3A_10, %mul3A_6 : i32
      %select_n3A = arith.constant true
      %select_n3A_12 = arith.constant 0 : i32
      %select_n3A_13 = arith.constant -1 : i32
      %select_n3A_14 = arith.select %select_n3A, %select_n3A_13, %select_n3A_12 : i32
      %eq3A = arith.constant -1 : i32
      %eq3A_15 = arith.cmpi eq, %select_n3A_14, %eq3A : i32
      %select_n3A_16 = arith.constant 5 : i32
      %select_n3A_17 = arith.select %eq3A_15, %select_n3A_16, %select_n3A_14 : i32
      %add3A_18 = arith.addi %select_n3A_17, %mul3A_6 : i32
      %select_n3A_19 = arith.constant true
      %select_n3A_20 = arith.constant 0 : i32
      %select_n3A_21 = arith.constant 1 : i32
      %select_n3A_22 = arith.select %select_n3A_19, %select_n3A_21, %select_n3A_20 : i32
      %eq3A_23 = arith.constant 6 : i32
      %eq3A_24 = arith.cmpi eq, %select_n3A_22, %eq3A_23 : i32
      %select_n3A_25 = arith.constant 0 : i32
      %select_n3A_26 = arith.select %eq3A_24, %select_n3A_25, %select_n3A_22 : i32
      %add3A_27 = arith.addi %select_n3A_26, %mul3A_6 : i32
      %add3A_28 = arith.constant 1 : i32
      %add3A_29 = arith.addi %select_n3A_26, %add3A_28 : i32
      %select_n3A_30 = arith.constant true
      %select_n3A_31 = arith.select %select_n3A_30, %add3A_29, %select_n3A_26 : i32
      %eq3A_32 = arith.constant 6 : i32
      %eq3A_33 = arith.cmpi eq, %select_n3A_31, %eq3A_32 : i32
      %select_n3A_34 = arith.constant 0 : i32
      %select_n3A_35 = arith.select %eq3A_33, %select_n3A_34, %select_n3A_31 : i32
      %add3A_36 = arith.addi %select_n3A_35, %mul3A_6 : i32
      "tpu.trace_start"() <{level = 10 : i32, message = "ep_initialize_0"}> : () -> ()
      %rem3A = arith.constant 0 : i32
      %rem3A_37 = arith.constant 2 : i32
      %rem3A_38 = arith.remui %rem3A, %rem3A_37 : i32
      %mul3A_39 = arith.constant 128 : i32
      %mul3A_40 = arith.muli %mul3A_39, %add3A_11 : i32
      %dma_start3A = arith.constant 0 : i32
      %dma_start3A_41 = arith.constant 0 : i32
      %dma_start3A_42 = tpu.memref_slice %run_scoped3A[%rem3A_38, %dma_start3A, %dma_start3A_41] : memref<2x1x128xi32, #tpu.memory_space<vmem>> -> memref<1x1x128xi32, #tpu.memory_space<vmem>>
      %dma_start3A_43 = tpu.memref_squeeze %dma_start3A_42 : memref<1x1x128xi32, #tpu.memory_space<vmem>> -> memref<1x128xi32, #tpu.memory_space<vmem>>
      %dma_start3A_44 = arith.constant 0 : i32
      %dma_start3A_45 = tpu.memref_slice %arg3[%dma_start3A_44, %mul3A_40] : memref<1x24576xi32, #tpu.memory_space<hbm>> -> memref<1x128xi32, #tpu.memory_space<hbm>>
      %dma_start3A_46 = tpu.memref_slice %run_scoped3A_7[%rem3A_38] : memref<2x!tpu.dma_semaphore, #tpu.memory_space<semaphore_mem>> -> memref<1x!tpu.dma_semaphore, #tpu.memory_space<semaphore_mem>>
      %dma_start3A_47 = tpu.memref_squeeze %dma_start3A_46 : memref<1x!tpu.dma_semaphore, #tpu.memory_space<semaphore_mem>> -> memref<!tpu.dma_semaphore, #tpu.memory_space<semaphore_mem>>
      %dma_start3A_48 = arith.constant 0 : i32
      %dma_start3A_49 = arith.constant 0 : i32
      %dma_start3A_50 = tpu.memref_slice %run_scoped3A[%rem3A_38, %dma_start3A_48, %dma_start3A_49] : memref<2x1x128xi32, #tpu.memory_space<vmem>> -> memref<1x1x128xi32, #tpu.memory_space<vmem>>
      %dma_start3A_51 = tpu.memref_squeeze %dma_start3A_50 : memref<1x1x128xi32, #tpu.memory_space<vmem>> -> memref<1x128xi32, #tpu.memory_space<vmem>>
      %dma_start3A_52 = arith.constant 0 : i32
      %dma_start3A_53 = tpu.memref_slice %arg3[%dma_start3A_52, %mul3A_40] : memref<1x24576xi32, #tpu.memory_space<hbm>> -> memref<1x128xi32, #tpu.memory_space<hbm>>
      tpu.enqueue_dma source(%dma_start3A_53 : memref<1x128xi32, #tpu.memory_space<hbm>>) target(%dma_start3A_51 : memref<1x128xi32, #tpu.memory_space<vmem>>) target_semaphore(%dma_start3A_47 : memref<!tpu.dma_semaphore, #tpu.memory_space<semaphore_mem>>)
      %add3A_54 = arith.constant 0 : i32
      %add3A_55 = arith.constant 1 : i32
      %add3A_56 = arith.addi %add3A_54, %add3A_55 : i32
      %select_n3A_57 = arith.constant true
      %select_n3A_58 = arith.constant 0 : i32
      %select_n3A_59 = arith.select %select_n3A_57, %add3A_56, %select_n3A_58 : i32
      "tpu.trace_stop"() : () -> ()
      %scan3A = arith.constant 0 : i32
      %scan3A_60 = arith.constant 0 : i32
      %scan3A_61 = arith.constant 0 : i32
      %scan3A_62 = arith.constant 0 : i32
      %scan3A_63 = arith.constant 0 : i32
      %scan3A_64 = arith.constant 6 : i32
      %scan3A_65 = arith.addi %scan3A_63, %scan3A_64 : i32
      %scan3A_66 = arith.constant 1 : i32
      %scan3A_67:5 = scf.for %scan3A_121 = %scan3A_63 to %scan3A_65 step %scan3A_66 iter_args(%scan3A_122 = %select_n3A_59, %scan3A_123 = %scan3A, %scan3A_124 = %scan3A_60, %scan3A_125 = %scan3A_61, %scan3A_126 = %scan3A_62) -> (i32, i32, i32, i32, i32)  : i32 {
        %eq3A_127 = arith.constant 0 : i32
        %eq3A_128 = arith.cmpi eq, %scan3A_121, %eq3A_127 : i32
        %eq3A_129 = arith.constant 5 : i32
        %eq3A_130 = arith.cmpi eq, %scan3A_121, %eq3A_129 : i32
        %add3A_131 = arith.addi %scan3A_126, %mul3A_6 : i32
        %sub3A_132 = arith.constant 1 : i32
        %sub3A_133 = arith.subi %scan3A_126, %sub3A_132 : i32
        %select_n3A_134 = arith.constant true
        %select_n3A_135 = arith.select %select_n3A_134, %sub3A_133, %scan3A_126 : i32
        %eq3A_136 = arith.constant -1 : i32
        %eq3A_137 = arith.cmpi eq, %select_n3A_135, %eq3A_136 : i32
        %select_n3A_138 = arith.constant 5 : i32
        %select_n3A_139 = arith.select %eq3A_137, %select_n3A_138, %select_n3A_135 : i32
        %add3A_140 = arith.addi %select_n3A_139, %mul3A_6 : i32
        %add3A_141 = arith.constant 1 : i32
        %add3A_142 = arith.addi %scan3A_126, %add3A_141 : i32
        %select_n3A_143 = arith.constant true
        %select_n3A_144 = arith.select %select_n3A_143, %add3A_142, %scan3A_126 : i32
        %eq3A_145 = arith.constant 6 : i32
        %eq3A_146 = arith.cmpi eq, %select_n3A_144, %eq3A_145 : i32
        %select_n3A_147 = arith.constant 0 : i32
        %select_n3A_148 = arith.select %eq3A_146, %select_n3A_147, %select_n3A_144 : i32
        %add3A_149 = arith.addi %select_n3A_148, %mul3A_6 : i32
        %add3A_150 = arith.constant 1 : i32
        %add3A_151 = arith.addi %select_n3A_148, %add3A_150 : i32
        %select_n3A_152 = arith.constant true
        %select_n3A_153 = arith.select %select_n3A_152, %add3A_151, %select_n3A_148 : i32
        %eq3A_154 = arith.constant 6 : i32
        %eq3A_155 = arith.cmpi eq, %select_n3A_153, %eq3A_154 : i32
        %select_n3A_156 = arith.constant 0 : i32
        %select_n3A_157 = arith.select %eq3A_155, %select_n3A_156, %select_n3A_153 : i32
        %add3A_158 = arith.addi %select_n3A_157, %mul3A_6 : i32
        %ne3A = arith.cmpi ne, %add3A_131, %add3A_149 : i32
        %or3A = arith.constant false
        %or3A_159 = arith.ori %or3A, %ne3A : i1
        %ge3A = arith.constant 5 : i32
        %ge3A_160 = arith.cmpi sge, %scan3A_121, %ge3A : i32
        %not3A = arith.constant true
        %not3A_161 = arith.xori %ge3A_160, %not3A : i1
        %and3A = arith.andi %or3A_159, %not3A_161 : i1
        %convert_element_type3A = arith.extui %and3A : i1 to i32
        %cond3A = arith.constant 0 : i32
        %cond3A_162 = arith.cmpi ne, %convert_element_type3A, %cond3A : i32
        scf.if %cond3A_162 {
          "tpu.trace_start"() <{level = 10 : i32, message = "ep_copy_in"}> : () -> ()
          %rem3A_264 = arith.constant 2 : i32
          %rem3A_265 = arith.remui %scan3A_122, %rem3A_264 : i32
          %mul3A_266 = arith.constant 128 : i32
          %mul3A_267 = arith.muli %mul3A_266, %add3A_149 : i32
          %dma_start3A_268 = arith.constant 0 : i32
          %dma_start3A_269 = arith.constant 0 : i32
          %dma_start3A_270 = tpu.memref_slice %run_scoped3A[%rem3A_265, %dma_start3A_268, %dma_start3A_269] : memref<2x1x128xi32, #tpu.memory_space<vmem>> -> memref<1x1x128xi32, #tpu.memory_space<vmem>>
          %dma_start3A_271 = tpu.memref_squeeze %dma_start3A_270 : memref<1x1x128xi32, #tpu.memory_space<vmem>> -> memref<1x128xi32, #tpu.memory_space<vmem>>
          %dma_start3A_272 = arith.constant 0 : i32
          %dma_start3A_273 = tpu.memref_slice %arg3[%dma_start3A_272, %mul3A_267] : memref<1x24576xi32, #tpu.memory_space<hbm>> -> memref<1x128xi32, #tpu.memory_space<hbm>>
          %dma_start3A_274 = tpu.memref_slice %run_scoped3A_7[%rem3A_265] : memref<2x!tpu.dma_semaphore, #tpu.memory_space<semaphore_mem>> -> memref<1x!tpu.dma_semaphore, #tpu.memory_space<semaphore_mem>>
          %dma_start3A_275 = tpu.memref_squeeze %dma_start3A_274 : memref<1x!tpu.dma_semaphore, #tpu.memory_space<semaphore_mem>> -> memref<!tpu.dma_semaphore, #tpu.memory_space<semaphore_mem>>
          %dma_start3A_276 = arith.constant 0 : i32
          %dma_start3A_277 = arith.constant 0 : i32
          %dma_start3A_278 = tpu.memref_slice %run_scoped3A[%rem3A_265, %dma_start3A_276, %dma_start3A_277] : memref<2x1x128xi32, #tpu.memory_space<vmem>> -> memref<1x1x128xi32, #tpu.memory_space<vmem>>
          %dma_start3A_279 = tpu.memref_squeeze %dma_start3A_278 : memref<1x1x128xi32, #tpu.memory_space<vmem>> -> memref<1x128xi32, #tpu.memory_space<vmem>>
          %dma_start3A_280 = arith.constant 0 : i32
          %dma_start3A_281 = tpu.memref_slice %arg3[%dma_start3A_280, %mul3A_267] : memref<1x24576xi32, #tpu.memory_space<hbm>> -> memref<1x128xi32, #tpu.memory_space<hbm>>
          tpu.enqueue_dma source(%dma_start3A_281 : memref<1x128xi32, #tpu.memory_space<hbm>>) target(%dma_start3A_279 : memref<1x128xi32, #tpu.memory_space<vmem>>) target_semaphore(%dma_start3A_275 : memref<!tpu.dma_semaphore, #tpu.memory_space<semaphore_mem>>)
          "tpu.trace_stop"() : () -> ()
        } else {
        }
        %and3A_163 = arith.constant true
        %and3A_164 = arith.andi %and3A, %and3A_163 : i1
        %add3A_165 = arith.constant 1 : i32
        %add3A_166 = arith.addi %scan3A_122, %add3A_165 : i32
        %select_n3A_167 = arith.select %and3A_164, %add3A_166, %scan3A_122 : i32
        %ne3A_168 = arith.cmpi ne, %add3A_131, %add3A_149 : i32
        %or3A_169 = arith.constant false
        %or3A_170 = arith.ori %or3A_169, %ne3A_168 : i1
        %or3A_171 = arith.constant false
        %or3A_172 = arith.ori %or3A_170, %or3A_171 : i1
        %ge3A_173 = arith.constant 5 : i32
        %ge3A_174 = arith.cmpi sge, %scan3A_121, %ge3A_173 : i32
        %not3A_175 = arith.constant true
        %not3A_176 = arith.xori %ge3A_174, %not3A_175 : i1
        %and3A_177 = arith.andi %or3A_172, %not3A_176 : i1
        %ne3A_178 = arith.cmpi ne, %add3A_131, %add3A_140 : i32
        %or3A_179 = arith.constant false
        %or3A_180 = arith.ori %or3A_179, %ne3A_178 : i1
        %or3A_181 = arith.ori %or3A_180, %eq3A_128 : i1
        %convert_element_type3A_182 = arith.extui %or3A_181 : i1 to i32
        %cond3A_183 = arith.constant 0 : i32
        %cond3A_184 = arith.cmpi ne, %convert_element_type3A_182, %cond3A_183 : i32
        scf.if %cond3A_184 {
          "tpu.trace_start"() <{level = 10 : i32, message = "ep_wait_in"}> : () -> ()
          %mul3A_264 = arith.constant 128 : i32
          %mul3A_265 = arith.muli %mul3A_264, %add3A_131 : i32
          %rem3A_266 = arith.constant 2 : i32
          %rem3A_267 = arith.remui %scan3A_123, %rem3A_266 : i32
          %dma_wait3A_268 = arith.constant 0 : i32
          %dma_wait3A_269 = arith.constant 0 : i32
          %dma_wait3A_270 = tpu.memref_slice %run_scoped3A[%rem3A_267, %dma_wait3A_268, %dma_wait3A_269] : memref<2x1x128xi32, #tpu.memory_space<vmem>> -> memref<1x1x128xi32, #tpu.memory_space<vmem>>
          %dma_wait3A_271 = tpu.memref_squeeze %dma_wait3A_270 : memref<1x1x128xi32, #tpu.memory_space<vmem>> -> memref<1x128xi32, #tpu.memory_space<vmem>>
          %dma_wait3A_272 = arith.constant 0 : i32
          %dma_wait3A_273 = tpu.memref_slice %arg3[%dma_wait3A_272, %mul3A_265] : memref<1x24576xi32, #tpu.memory_space<hbm>> -> memref<1x128xi32, #tpu.memory_space<hbm>>
          %dma_wait3A_274 = tpu.memref_slice %run_scoped3A_7[%rem3A_267] : memref<2x!tpu.dma_semaphore, #tpu.memory_space<semaphore_mem>> -> memref<1x!tpu.dma_semaphore, #tpu.memory_space<semaphore_mem>>
          %dma_wait3A_275 = tpu.memref_squeeze %dma_wait3A_274 : memref<1x!tpu.dma_semaphore, #tpu.memory_space<semaphore_mem>> -> memref<!tpu.dma_semaphore, #tpu.memory_space<semaphore_mem>>
          %dma_wait3A_276 = arith.constant 0 : i32
          %dma_wait3A_277 = arith.constant 0 : i32
          %dma_wait3A_278 = tpu.memref_slice %run_scoped3A[%rem3A_267, %dma_wait3A_276, %dma_wait3A_277] : memref<2x1x128xi32, #tpu.memory_space<vmem>> -> memref<1x1x128xi32, #tpu.memory_space<vmem>>
          %dma_wait3A_279 = tpu.memref_squeeze %dma_wait3A_278 : memref<1x1x128xi32, #tpu.memory_space<vmem>> -> memref<1x128xi32, #tpu.memory_space<vmem>>
          %dma_wait3A_280 = arith.constant 0 : i32
          %dma_wait3A_281 = tpu.memref_slice %arg3[%dma_wait3A_280, %mul3A_265] : memref<1x24576xi32, #tpu.memory_space<hbm>> -> memref<1x128xi32, #tpu.memory_space<hbm>>
          tpu.wait_dma2 semaphore(%dma_wait3A_275 : memref<!tpu.dma_semaphore, #tpu.memory_space<semaphore_mem>>) src(%dma_wait3A_281 : memref<1x128xi32, #tpu.memory_space<hbm>>) dst(%dma_wait3A_279 : memref<1x128xi32, #tpu.memory_space<vmem>>)
          "tpu.trace_stop"() : () -> ()
        } else {
        }
        %ne3A_185 = arith.cmpi ne, %add3A_131, %add3A_140 : i32
        %or3A_186 = arith.constant false
        %or3A_187 = arith.ori %or3A_186, %ne3A_185 : i1
        %or3A_188 = arith.constant false
        %or3A_189 = arith.ori %or3A_187, %or3A_188 : i1
        %or3A_190 = arith.ori %or3A_189, %eq3A_128 : i1
        %convert_element_type3A_191 = arith.extui %or3A_190 : i1 to i32
        %cond3A_192 = arith.constant 0 : i32
        %cond3A_193 = arith.cmpi ne, %convert_element_type3A_191, %cond3A_192 : i32
        scf.if %cond3A_193 {
        } else {
        }
        %rem3A_194 = arith.constant 2 : i32
        %rem3A_195 = arith.remui %scan3A_123, %rem3A_194 : i32
        %rem3A_196 = arith.constant 2 : i32
        %rem3A_197 = arith.remui %scan3A_124, %rem3A_196 : i32
        %run_scoped3A_198 = arith.constant 0 : i32
        "tpu.trace_start"() <{level = 10 : i32, message = "ep_run_kernel"}> : () -> ()
        "tpu.region"() ({
          %run_scoped3A_264 = tpu.sem_alloc : memref<!tpu.dma_semaphore, #tpu.memory_space<semaphore_mem>>
          %dma_start3A_265 = arith.constant 0 : i32
          %dma_start3A_266 = arith.constant 0 : i32
          %dma_start3A_267 = tpu.memref_slice %run_scoped3A_8[%rem3A_197, %dma_start3A_265, %dma_start3A_266] : memref<2x128x256xi32, #tpu.memory_space<vmem>> -> memref<1x128x256xi32, #tpu.memory_space<vmem>>
          %dma_start3A_268 = tpu.memref_squeeze %dma_start3A_267 : memref<1x128x256xi32, #tpu.memory_space<vmem>> -> memref<128x256xi32, #tpu.memory_space<vmem>>
          %dma_start3A_269 = arith.constant 0 : i32
          %dma_start3A_270 = arith.constant 0 : i32
          %dma_start3A_271 = tpu.memref_slice %run_scoped3A[%rem3A_195, %dma_start3A_269, %dma_start3A_270] : memref<2x1x128xi32, #tpu.memory_space<vmem>> -> memref<1x1x128xi32, #tpu.memory_space<vmem>>
          %dma_start3A_272 = tpu.memref_squeeze %dma_start3A_271 : memref<1x1x128xi32, #tpu.memory_space<vmem>> -> memref<1x128xi32, #tpu.memory_space<vmem>>
          %dma_start3A_273 = arith.constant 0 : i32
          %dma_start3A_274 = tpu.memref_slice %dma_start3A_272[%run_scoped3A_198, %dma_start3A_273] : memref<1x128xi32, #tpu.memory_space<vmem>> -> memref<1x128xi32, #tpu.memory_space<vmem>>
          %dma_start3A_275 = tpu.memref_squeeze %dma_start3A_274 : memref<1x128xi32, #tpu.memory_space<vmem>> -> memref<128xi32, #tpu.memory_space<vmem>>
          %dma_start3A_276 = arith.constant 0 : i32
          %dma_start3A_277 = arith.constant 0 : i32
          %dma_start3A_278 = tpu.memref_slice %arg2[%dma_start3A_276, %dma_start3A_277] : memref<8192x256xi32, #tpu.memory_space<hbm>> -> memref<8192x256xi32, #tpu.memory_space<hbm>>
          tpu.enqueue_indirect_dma source(%dma_start3A_278 : memref<8192x256xi32, #tpu.memory_space<hbm>>) target(%dma_start3A_268 : memref<128x256xi32, #tpu.memory_space<vmem>>) offsets(%dma_start3A_275 : memref<128xi32, #tpu.memory_space<vmem>>) semaphore(%run_scoped3A_264 : memref<!tpu.dma_semaphore, #tpu.memory_space<semaphore_mem>>)
          %dma_wait3A_279 = arith.constant 0 : i32
          %dma_wait3A_280 = arith.constant 0 : i32
          %dma_wait3A_281 = tpu.memref_slice %run_scoped3A_8[%rem3A_197, %dma_wait3A_279, %dma_wait3A_280] : memref<2x128x256xi32, #tpu.memory_space<vmem>> -> memref<1x128x256xi32, #tpu.memory_space<vmem>>
          %dma_wait3A_282 = tpu.memref_squeeze %dma_wait3A_281 : memref<1x128x256xi32, #tpu.memory_space<vmem>> -> memref<128x256xi32, #tpu.memory_space<vmem>>
          %dma_wait3A_283 = arith.constant 0 : i32
          %dma_wait3A_284 = arith.constant 0 : i32
          %dma_wait3A_285 = tpu.memref_slice %run_scoped3A[%rem3A_195, %dma_wait3A_283, %dma_wait3A_284] : memref<2x1x128xi32, #tpu.memory_space<vmem>> -> memref<1x1x128xi32, #tpu.memory_space<vmem>>
          %dma_wait3A_286 = tpu.memref_squeeze %dma_wait3A_285 : memref<1x1x128xi32, #tpu.memory_space<vmem>> -> memref<1x128xi32, #tpu.memory_space<vmem>>
          %dma_wait3A_287 = arith.constant 0 : i32
          %dma_wait3A_288 = tpu.memref_slice %dma_wait3A_286[%run_scoped3A_198, %dma_wait3A_287] : memref<1x128xi32, #tpu.memory_space<vmem>> -> memref<1x128xi32, #tpu.memory_space<vmem>>
          %dma_wait3A_289 = tpu.memref_squeeze %dma_wait3A_288 : memref<1x128xi32, #tpu.memory_space<vmem>> -> memref<128xi32, #tpu.memory_space<vmem>>
          %dma_wait3A_290 = arith.constant 0 : i32
          %dma_wait3A_291 = arith.constant 0 : i32
          %dma_wait3A_292 = tpu.memref_slice %arg2[%dma_wait3A_290, %dma_wait3A_291] : memref<8192x256xi32, #tpu.memory_space<hbm>> -> memref<8192x256xi32, #tpu.memory_space<hbm>>
          tpu.wait_indirect_dma semaphore(%run_scoped3A_264 : memref<!tpu.dma_semaphore, #tpu.memory_space<semaphore_mem>>) src(%dma_wait3A_292 : memref<8192x256xi32, #tpu.memory_space<hbm>>) dst(%dma_wait3A_282 : memref<128x256xi32, #tpu.memory_space<vmem>>)
          tpu.yield
        }) : () -> ()
        "tpu.trace_stop"() : () -> ()
        %ne3A_199 = arith.cmpi ne, %add3A_131, %add3A_149 : i32
        %or3A_200 = arith.constant false
        %or3A_201 = arith.ori %or3A_200, %ne3A_199 : i1
        %or3A_202 = arith.ori %or3A_201, %eq3A_130 : i1
        %convert_element_type3A_203 = arith.extui %or3A_202 : i1 to i32
        %cond3A_204 = arith.constant 0 : i32
        %cond3A_205 = arith.cmpi ne, %convert_element_type3A_203, %cond3A_204 : i32
        scf.if %cond3A_205 {
        } else {
        }
        %and3A_206 = arith.constant false
        %and3A_207 = arith.andi %or3A_202, %and3A_206 : i1
        %ne3A_208 = arith.cmpi ne, %add3A_131, %add3A_149 : i32
        %or3A_209 = arith.constant false
        %or3A_210 = arith.ori %or3A_209, %ne3A_208 : i1
        %or3A_211 = arith.constant false
        %or3A_212 = arith.ori %or3A_210, %or3A_211 : i1
        %or3A_213 = arith.ori %or3A_212, %eq3A_130 : i1
        %convert_element_type3A_214 = arith.extui %or3A_213 : i1 to i32
        %cond3A_215 = arith.constant 0 : i32
        %cond3A_216 = arith.cmpi ne, %convert_element_type3A_214, %cond3A_215 : i32
        scf.if %cond3A_216 {
          "tpu.trace_start"() <{level = 10 : i32, message = "ep_copy_out"}> : () -> ()
          %rem3A_264 = arith.constant 2 : i32
          %rem3A_265 = arith.remui %scan3A_124, %rem3A_264 : i32
          %mul3A_266 = arith.constant 128 : i32
          %mul3A_267 = arith.muli %mul3A_266, %add3A_131 : i32
          %dma_start3A_268 = arith.constant 0 : i32
          %dma_start3A_269 = arith.constant 0 : i32
          %dma_start3A_270 = tpu.memref_slice %run_scoped3A_8[%rem3A_265, %dma_start3A_268, %dma_start3A_269] : memref<2x128x256xi32, #tpu.memory_space<vmem>> -> memref<1x128x256xi32, #tpu.memory_space<vmem>>
          %dma_start3A_271 = tpu.memref_squeeze %dma_start3A_270 : memref<1x128x256xi32, #tpu.memory_space<vmem>> -> memref<128x256xi32, #tpu.memory_space<vmem>>
          %dma_start3A_272 = arith.constant 0 : i32
          %dma_start3A_273 = tpu.memref_slice %arg4[%mul3A_267, %dma_start3A_272] : memref<24576x256xi32, #tpu.memory_space<hbm>> -> memref<128x256xi32, #tpu.memory_space<hbm>>
          %dma_start3A_274 = tpu.memref_slice %run_scoped3A_9[%rem3A_265] : memref<2x!tpu.dma_semaphore, #tpu.memory_space<semaphore_mem>> -> memref<1x!tpu.dma_semaphore, #tpu.memory_space<semaphore_mem>>
          %dma_start3A_275 = tpu.memref_squeeze %dma_start3A_274 : memref<1x!tpu.dma_semaphore, #tpu.memory_space<semaphore_mem>> -> memref<!tpu.dma_semaphore, #tpu.memory_space<semaphore_mem>>
          %dma_start3A_276 = arith.constant 0 : i32
          %dma_start3A_277 = tpu.memref_slice %arg4[%mul3A_267, %dma_start3A_276] : memref<24576x256xi32, #tpu.memory_space<hbm>> -> memref<128x256xi32, #tpu.memory_space<hbm>>
          %dma_start3A_278 = arith.constant 0 : i32
          %dma_start3A_279 = arith.constant 0 : i32
          %dma_start3A_280 = tpu.memref_slice %run_scoped3A_8[%rem3A_265, %dma_start3A_278, %dma_start3A_279] : memref<2x128x256xi32, #tpu.memory_space<vmem>> -> memref<1x128x256xi32, #tpu.memory_space<vmem>>
          %dma_start3A_281 = tpu.memref_squeeze %dma_start3A_280 : memref<1x128x256xi32, #tpu.memory_space<vmem>> -> memref<128x256xi32, #tpu.memory_space<vmem>>
          tpu.enqueue_dma source(%dma_start3A_281 : memref<128x256xi32, #tpu.memory_space<vmem>>) target(%dma_start3A_277 : memref<128x256xi32, #tpu.memory_space<hbm>>) target_semaphore(%dma_start3A_275 : memref<!tpu.dma_semaphore, #tpu.memory_space<semaphore_mem>>)
          "tpu.trace_stop"() : () -> ()
        } else {
        }
        %and3A_217 = arith.constant true
        %and3A_218 = arith.andi %or3A_213, %and3A_217 : i1
        %add3A_219 = arith.constant 1 : i32
        %add3A_220 = arith.addi %scan3A_124, %add3A_219 : i32
        %select_n3A_221 = arith.select %and3A_218, %add3A_220, %scan3A_124 : i32
        %ne3A_222 = arith.cmpi ne, %add3A_131, %add3A_140 : i32
        %or3A_223 = arith.constant false
        %or3A_224 = arith.ori %or3A_223, %ne3A_222 : i1
        %not3A_225 = arith.constant true
        %not3A_226 = arith.xori %eq3A_128, %not3A_225 : i1
        %and3A_227 = arith.andi %or3A_224, %not3A_226 : i1
        %convert_element_type3A_228 = arith.extui %and3A_227 : i1 to i32
        %cond3A_229 = arith.constant 0 : i32
        %cond3A_230 = arith.cmpi ne, %convert_element_type3A_228, %cond3A_229 : i32
        scf.if %cond3A_230 {
        } else {
        }
        %and3A_231 = arith.constant false
        %and3A_232 = arith.andi %and3A_227, %and3A_231 : i1
        %ne3A_233 = arith.cmpi ne, %add3A_131, %add3A_140 : i32
        %or3A_234 = arith.constant false
        %or3A_235 = arith.ori %or3A_234, %ne3A_233 : i1
        %or3A_236 = arith.constant false
        %or3A_237 = arith.ori %or3A_235, %or3A_236 : i1
        %not3A_238 = arith.constant true
        %not3A_239 = arith.xori %eq3A_128, %not3A_238 : i1
        %and3A_240 = arith.andi %or3A_237, %not3A_239 : i1
        %convert_element_type3A_241 = arith.extui %and3A_240 : i1 to i32
        %cond3A_242 = arith.constant 0 : i32
        %cond3A_243 = arith.cmpi ne, %convert_element_type3A_241, %cond3A_242 : i32
        scf.if %cond3A_243 {
          "tpu.trace_start"() <{level = 10 : i32, message = "ep_wait_out"}> : () -> ()
          %rem3A_264 = arith.constant 2 : i32
          %rem3A_265 = arith.remui %scan3A_125, %rem3A_264 : i32
          %mul3A_266 = arith.constant 128 : i32
          %mul3A_267 = arith.muli %mul3A_266, %add3A_140 : i32
          %dma_wait3A_268 = arith.constant 0 : i32
          %dma_wait3A_269 = arith.constant 0 : i32
          %dma_wait3A_270 = tpu.memref_slice %run_scoped3A_8[%rem3A_265, %dma_wait3A_268, %dma_wait3A_269] : memref<2x128x256xi32, #tpu.memory_space<vmem>> -> memref<1x128x256xi32, #tpu.memory_space<vmem>>
          %dma_wait3A_271 = tpu.memref_squeeze %dma_wait3A_270 : memref<1x128x256xi32, #tpu.memory_space<vmem>> -> memref<128x256xi32, #tpu.memory_space<vmem>>
          %dma_wait3A_272 = arith.constant 0 : i32
          %dma_wait3A_273 = tpu.memref_slice %arg4[%mul3A_267, %dma_wait3A_272] : memref<24576x256xi32, #tpu.memory_space<hbm>> -> memref<128x256xi32, #tpu.memory_space<hbm>>
          %dma_wait3A_274 = tpu.memref_slice %run_scoped3A_9[%rem3A_265] : memref<2x!tpu.dma_semaphore, #tpu.memory_space<semaphore_mem>> -> memref<1x!tpu.dma_semaphore, #tpu.memory_space<semaphore_mem>>
          %dma_wait3A_275 = tpu.memref_squeeze %dma_wait3A_274 : memref<1x!tpu.dma_semaphore, #tpu.memory_space<semaphore_mem>> -> memref<!tpu.dma_semaphore, #tpu.memory_space<semaphore_mem>>
          %dma_wait3A_276 = arith.constant 0 : i32
          %dma_wait3A_277 = tpu.memref_slice %arg4[%mul3A_267, %dma_wait3A_276] : memref<24576x256xi32, #tpu.memory_space<hbm>> -> memref<128x256xi32, #tpu.memory_space<hbm>>
          %dma_wait3A_278 = arith.constant 0 : i32
          %dma_wait3A_279 = arith.constant 0 : i32
          %dma_wait3A_280 = tpu.memref_slice %run_scoped3A_8[%rem3A_265, %dma_wait3A_278, %dma_wait3A_279] : memref<2x128x256xi32, #tpu.memory_space<vmem>> -> memref<1x128x256xi32, #tpu.memory_space<vmem>>
          %dma_wait3A_281 = tpu.memref_squeeze %dma_wait3A_280 : memref<1x128x256xi32, #tpu.memory_space<vmem>> -> memref<128x256xi32, #tpu.memory_space<vmem>>
          tpu.wait_dma2 semaphore(%dma_wait3A_275 : memref<!tpu.dma_semaphore, #tpu.memory_space<semaphore_mem>>) src(%dma_wait3A_281 : memref<128x256xi32, #tpu.memory_space<vmem>>) dst(%dma_wait3A_277 : memref<128x256xi32, #tpu.memory_space<hbm>>)
          "tpu.trace_stop"() : () -> ()
        } else {
        }
        %and3A_244 = arith.constant true
        %and3A_245 = arith.andi %and3A_240, %and3A_244 : i1
        %add3A_246 = arith.constant 1 : i32
        %add3A_247 = arith.addi %scan3A_125, %add3A_246 : i32
        %select_n3A_248 = arith.select %and3A_245, %add3A_247, %scan3A_125 : i32
        %ne3A_249 = arith.cmpi ne, %add3A_131, %add3A_149 : i32
        %or3A_250 = arith.constant false
        %or3A_251 = arith.ori %or3A_250, %ne3A_249 : i1
        %or3A_252 = arith.ori %or3A_251, %eq3A_130 : i1
        %add3A_253 = arith.constant 1 : i32
        %add3A_254 = arith.addi %scan3A_123, %add3A_253 : i32
        %select_n3A_255 = arith.select %or3A_252, %add3A_254, %scan3A_123 : i32
        %add3A_256 = arith.constant 1 : i32
        %add3A_257 = arith.addi %scan3A_126, %add3A_256 : i32
        %select_n3A_258 = arith.constant true
        %select_n3A_259 = arith.select %select_n3A_258, %add3A_257, %scan3A_126 : i32
        %eq3A_260 = arith.constant 6 : i32
        %eq3A_261 = arith.cmpi eq, %select_n3A_259, %eq3A_260 : i32
        %select_n3A_262 = arith.constant 0 : i32
        %select_n3A_263 = arith.select %eq3A_261, %select_n3A_262, %select_n3A_259 : i32
        scf.yield %select_n3A_167, %select_n3A_255, %select_n3A_221, %select_n3A_248, %select_n3A_263 : i32, i32, i32, i32, i32
      }
      %scan3A_68 = arith.constant 6 : i32
      %sub3A = arith.constant 1 : i32
      %sub3A_69 = arith.subi %scan3A_67#4, %sub3A : i32
      %select_n3A_70 = arith.constant true
      %select_n3A_71 = arith.select %select_n3A_70, %sub3A_69, %scan3A_67#4 : i32
      %eq3A_72 = arith.constant -1 : i32
      %eq3A_73 = arith.cmpi eq, %select_n3A_71, %eq3A_72 : i32
      %select_n3A_74 = arith.constant 5 : i32
      %select_n3A_75 = arith.select %eq3A_73, %select_n3A_74, %select_n3A_71 : i32
      %add3A_76 = arith.addi %select_n3A_75, %mul3A_6 : i32
      %sub3A_77 = arith.constant 1 : i32
      %sub3A_78 = arith.subi %select_n3A_75, %sub3A_77 : i32
      %select_n3A_79 = arith.constant true
      %select_n3A_80 = arith.select %select_n3A_79, %sub3A_78, %select_n3A_75 : i32
      %eq3A_81 = arith.constant -1 : i32
      %eq3A_82 = arith.cmpi eq, %select_n3A_80, %eq3A_81 : i32
      %select_n3A_83 = arith.constant 5 : i32
      %select_n3A_84 = arith.select %eq3A_82, %select_n3A_83, %select_n3A_80 : i32
      %add3A_85 = arith.addi %select_n3A_84, %mul3A_6 : i32
      %add3A_86 = arith.constant 1 : i32
      %add3A_87 = arith.addi %select_n3A_75, %add3A_86 : i32
      %select_n3A_88 = arith.constant true
      %select_n3A_89 = arith.select %select_n3A_88, %add3A_87, %select_n3A_75 : i32
      %eq3A_90 = arith.constant 6 : i32
      %eq3A_91 = arith.cmpi eq, %select_n3A_89, %eq3A_90 : i32
      %select_n3A_92 = arith.constant 0 : i32
      %select_n3A_93 = arith.select %eq3A_91, %select_n3A_92, %select_n3A_89 : i32
      %add3A_94 = arith.addi %select_n3A_93, %mul3A_6 : i32
      %add3A_95 = arith.constant 1 : i32
      %add3A_96 = arith.addi %select_n3A_93, %add3A_95 : i32
      %select_n3A_97 = arith.constant true
      %select_n3A_98 = arith.select %select_n3A_97, %add3A_96, %select_n3A_93 : i32
      %eq3A_99 = arith.constant 6 : i32
      %eq3A_100 = arith.cmpi eq, %select_n3A_98, %eq3A_99 : i32
      %select_n3A_101 = arith.constant 0 : i32
      %select_n3A_102 = arith.select %eq3A_100, %select_n3A_101, %select_n3A_98 : i32
      %add3A_103 = arith.addi %select_n3A_102, %mul3A_6 : i32
      "tpu.trace_start"() <{level = 10 : i32, message = "ep_finalize"}> : () -> ()
      %rem3A_104 = arith.constant 2 : i32
      %rem3A_105 = arith.remui %scan3A_67#3, %rem3A_104 : i32
      %mul3A_106 = arith.constant 128 : i32
      %mul3A_107 = arith.muli %mul3A_106, %add3A_76 : i32
      %dma_wait3A = arith.constant 0 : i32
      %dma_wait3A_108 = arith.constant 0 : i32
      %dma_wait3A_109 = tpu.memref_slice %run_scoped3A_8[%rem3A_105, %dma_wait3A, %dma_wait3A_108] : memref<2x128x256xi32, #tpu.memory_space<vmem>> -> memref<1x128x256xi32, #tpu.memory_space<vmem>>
      %dma_wait3A_110 = tpu.memref_squeeze %dma_wait3A_109 : memref<1x128x256xi32, #tpu.memory_space<vmem>> -> memref<128x256xi32, #tpu.memory_space<vmem>>
      %dma_wait3A_111 = arith.constant 0 : i32
      %dma_wait3A_112 = tpu.memref_slice %arg4[%mul3A_107, %dma_wait3A_111] : memref<24576x256xi32, #tpu.memory_space<hbm>> -> memref<128x256xi32, #tpu.memory_space<hbm>>
      %dma_wait3A_113 = tpu.memref_slice %run_scoped3A_9[%rem3A_105] : memref<2x!tpu.dma_semaphore, #tpu.memory_space<semaphore_mem>> -> memref<1x!tpu.dma_semaphore, #tpu.memory_space<semaphore_mem>>
      %dma_wait3A_114 = tpu.memref_squeeze %dma_wait3A_113 : memref<1x!tpu.dma_semaphore, #tpu.memory_space<semaphore_mem>> -> memref<!tpu.dma_semaphore, #tpu.memory_space<semaphore_mem>>
      %dma_wait3A_115 = arith.constant 0 : i32
      %dma_wait3A_116 = tpu.memref_slice %arg4[%mul3A_107, %dma_wait3A_115] : memref<24576x256xi32, #tpu.memory_space<hbm>> -> memref<128x256xi32, #tpu.memory_space<hbm>>
      %dma_wait3A_117 = arith.constant 0 : i32
      %dma_wait3A_118 = arith.constant 0 : i32
      %dma_wait3A_119 = tpu.memref_slice %run_scoped3A_8[%rem3A_105, %dma_wait3A_117, %dma_wait3A_118] : memref<2x128x256xi32, #tpu.memory_space<vmem>> -> memref<1x128x256xi32, #tpu.memory_space<vmem>>
      %dma_wait3A_120 = tpu.memref_squeeze %dma_wait3A_119 : memref<1x128x256xi32, #tpu.memory_space<vmem>> -> memref<128x256xi32, #tpu.memory_space<vmem>>
      tpu.wait_dma2 semaphore(%dma_wait3A_114 : memref<!tpu.dma_semaphore, #tpu.memory_space<semaphore_mem>>) src(%dma_wait3A_120 : memref<128x256xi32, #tpu.memory_space<vmem>>) dst(%dma_wait3A_116 : memref<128x256xi32, #tpu.memory_space<hbm>>)
      "tpu.trace_stop"() : () -> ()
      tpu.yield
    }) : () -> ()
    return
  }
}

module attributes {stable_mosaic.version = 14 : i64} {
  func.func @_gating_body(%arg0: i32, %arg1: memref<512x1024xf32, #tpu.memory_space<vmem>>, %arg2: memref<1024x8xf32, #tpu.memory_space<vmem>>, %arg3: memref<512x2xi32, #tpu.memory_space<vmem>>, %arg4: memref<512x2xf32, #tpu.memory_space<vmem>>, %arg5: memref<1x8xf32, #tpu.memory_space<vmem>>, %arg6: memref<1x8xf32, #tpu.memory_space<vmem>>) attributes {dimension_semantics = [#tpu.dimension_semantics<arbitrary>], iteration_bounds = array<i64: 8>, scalar_prefetch = 0 : i64, scratch_operands = 0 : i64, tpu.core_type = #tpu.core_type<tc>, window_params = [{transform_indices = @transform_0, window_bounds = array<i64: 512, 1024>}, {pipeline_mode = #tpu.pipeline_mode<synchronous>, transform_indices = @transform_1, window_bounds = array<i64: 1024, 8>}, {transform_indices = @transform_2, window_bounds = array<i64: 512, 2>}, {transform_indices = @transform_3, window_bounds = array<i64: 512, 2>}, {pipeline_mode = #tpu.pipeline_mode<synchronous>, transform_indices = @transform_4, window_bounds = array<i64: 1, 8>}, {pipeline_mode = #tpu.pipeline_mode<synchronous>, transform_indices = @transform_5, window_bounds = array<i64: 1, 8>}]} {
    %get3A = arith.constant 0 : index
    %get3A_0 = arith.constant 0 : index
    %get3A_1 = vector.load %arg1[%get3A, %get3A_0] : memref<512x1024xf32, #tpu.memory_space<vmem>>, vector<512x1024xf32>
    %convert_element_type3A = arith.truncf %get3A_1 : vector<512x1024xf32> to vector<512x1024xbf16>
    %get3A_2 = arith.constant 0 : index
    %get3A_3 = arith.constant 0 : index
    %get3A_4 = vector.load %arg2[%get3A_2, %get3A_3] : memref<1024x8xf32, #tpu.memory_space<vmem>>, vector<1024x8xf32>
    %convert_element_type3A_5 = arith.truncf %get3A_4 : vector<1024x8xf32> to vector<1024x8xbf16>
    %dot_general3A = arith.constant dense<0.000000e+00> : vector<512x8xf32>
    %dot_general3A_6 = tpu.matmul %convert_element_type3A, %convert_element_type3A_5, %dot_general3A {dimension_numbers = #tpu.dot_dimension_numbers<[1], [0], [0], [1], [0, 0, 1, 1], [], []>, transpose_lhs_hint = false} : vector<512x1024xbf16>, vector<1024x8xbf16>, vector<512x8xf32> -> vector<512x8xf32>
    %iota3A = tpu.iota {dimensions = array<i32: 1>} : vector<512x8xi32>
    %reduce_max3A = arith.constant dense<0xFF800000> : vector<512xf32>
    %reduce_max3A_7 = vector.multi_reduction <maximumf>, %dot_general3A_6, %reduce_max3A [1] : vector<512x8xf32> to vector<512xf32>
    %broadcast_in_dim3A = vector.shape_cast %reduce_max3A_7 : vector<512xf32> to vector<512x1xf32>
    %argmax3A = tpu.reduce_index %dot_general3A_6 {axis = 1 : i32, kind = #tpu.reduction_kind<arg_max>} : vector<512x8xf32> -> vector<512xi32>
    %broadcast_in_dim3A_8 = vector.shape_cast %argmax3A : vector<512xi32> to vector<512x1xi32>
    %eq3A = vector.broadcast %broadcast_in_dim3A_8 : vector<512x1xi32> to vector<512x8xi32>
    %eq3A_9 = arith.cmpi eq, %iota3A, %eq3A : vector<512x8xi32>
    %jit3A = arith.constant 0xFF800000 : f32
    %broadcast_in_dim3A_10 = vector.broadcast %jit3A : f32 to vector<512x8xf32>
    %select_n3A = arith.select %eq3A_9, %broadcast_in_dim3A_10, %dot_general3A_6 : vector<512x8xi1>, vector<512x8xf32>
    %reduce_max3A_11 = arith.constant dense<0xFF800000> : vector<512xf32>
    %reduce_max3A_12 = vector.multi_reduction <maximumf>, %select_n3A, %reduce_max3A_11 [1] : vector<512x8xf32> to vector<512xf32>
    %broadcast_in_dim3A_13 = vector.shape_cast %reduce_max3A_12 : vector<512xf32> to vector<512x1xf32>
    %argmax3A_14 = tpu.reduce_index %select_n3A {axis = 1 : i32, kind = #tpu.reduction_kind<arg_max>} : vector<512x8xf32> -> vector<512xi32>
    %sub3A = arith.subf %broadcast_in_dim3A_13, %broadcast_in_dim3A : vector<512x1xf32>
    %exp3A = math.exp %sub3A : vector<512x1xf32>
    %add3A = arith.constant 1.000000e+00 : f32
    %add3A_15 = vector.broadcast %add3A : f32 to vector<512x1xf32>
    %add3A_16 = arith.addf %add3A_15, %exp3A : vector<512x1xf32>
    %div3A = arith.constant 1.000000e+00 : f32
    %div3A_17 = vector.broadcast %div3A : f32 to vector<512x1xf32>
    %div3A_18 = arith.divf %div3A_17, %add3A_16 : vector<512x1xf32>
    %div3A_19 = arith.divf %exp3A, %add3A_16 : vector<512x1xf32>
    %broadcast_in_dim3A_20 = vector.shape_cast %argmax3A : vector<512xi32> to vector<512x1xi32>
    %broadcast_in_dim3A_21 = vector.shape_cast %argmax3A_14 : vector<512xi32> to vector<512x1xi32>
    %concatenate3A = tpu.concatenate %broadcast_in_dim3A_20, %broadcast_in_dim3A_21 in 1 : vector<512x1xi32>, vector<512x1xi32> -> vector<512x2xi32>
    %swap3A = arith.constant 0 : index
    %swap3A_22 = arith.constant 0 : index
    %swap3A_23 = vector.load %arg3[%swap3A, %swap3A_22] : memref<512x2xi32, #tpu.memory_space<vmem>>, vector<512x2xi32>
    tpu.vector_store %arg3[%swap3A, %swap3A_22], %concatenate3A {strides = array<i32>} : memref<512x2xi32, #tpu.memory_space<vmem>>, vector<512x2xi32>,
    %concatenate3A_24 = tpu.concatenate %div3A_18, %div3A_19 in 1 : vector<512x1xf32>, vector<512x1xf32> -> vector<512x2xf32>
    %swap3A_25 = arith.constant 0 : index
    %swap3A_26 = arith.constant 0 : index
    %swap3A_27 = vector.load %arg4[%swap3A_25, %swap3A_26] : memref<512x2xf32, #tpu.memory_space<vmem>>, vector<512x2xf32>
    tpu.vector_store %arg4[%swap3A_25, %swap3A_26], %concatenate3A_24 {strides = array<i32>} : memref<512x2xf32, #tpu.memory_space<vmem>>, vector<512x2xf32>,
    %broadcast_in_dim3A_28 = vector.shape_cast %argmax3A : vector<512xi32> to vector<512x1xi32>
    %eq3A_29 = vector.broadcast %broadcast_in_dim3A_28 : vector<512x1xi32> to vector<512x8xi32>
    %eq3A_30 = arith.cmpi eq, %iota3A, %eq3A_29 : vector<512x8xi32>
    %convert_element_type3A_31 = arith.extui %eq3A_30 : vector<512x8xi1> to vector<512x8xi32>
    %convert_element_type3A_32 = arith.sitofp %convert_element_type3A_31 : vector<512x8xi32> to vector<512x8xf32>
    %broadcast_in_dim3A_33 = vector.shape_cast %argmax3A_14 : vector<512xi32> to vector<512x1xi32>
    %eq3A_34 = vector.broadcast %broadcast_in_dim3A_33 : vector<512x1xi32> to vector<512x8xi32>
    %eq3A_35 = arith.cmpi eq, %iota3A, %eq3A_34 : vector<512x8xi32>
    %convert_element_type3A_36 = arith.extui %eq3A_35 : vector<512x8xi1> to vector<512x8xi32>
    %convert_element_type3A_37 = arith.sitofp %convert_element_type3A_36 : vector<512x8xi32> to vector<512x8xf32>
    %mul3A = vector.broadcast %div3A_18 : vector<512x1xf32> to vector<512x8xf32>
    %mul3A_38 = arith.mulf %convert_element_type3A_32, %mul3A : vector<512x8xf32>
    %mul3A_39 = vector.broadcast %div3A_19 : vector<512x1xf32> to vector<512x8xf32>
    %mul3A_40 = arith.mulf %convert_element_type3A_37, %mul3A_39 : vector<512x8xf32>
    %add3A_41 = arith.addf %mul3A_38, %mul3A_40 : vector<512x8xf32>
    %reduce_sum3A = arith.constant dense<0.000000e+00> : vector<8xf32>
    %reduce_sum3A_42 = vector.multi_reduction <add>, %add3A_41, %reduce_sum3A [0] : vector<512x8xf32> to vector<8xf32>
    %broadcast_in_dim3A_43 = vector.shape_cast %reduce_sum3A_42 : vector<8xf32> to vector<1x8xf32>
    %gt3A = arith.constant 0.000000e+00 : f32
    %gt3A_44 = vector.broadcast %gt3A : f32 to vector<512x1xf32>
    %gt3A_45 = arith.cmpf ogt, %div3A_19, %gt3A_44 : vector<512x1xf32>
    %convert_element_type3A_46 = arith.extui %gt3A_45 : vector<512x1xi1> to vector<512x1xi32>
    %convert_element_type3A_47 = arith.sitofp %convert_element_type3A_46 : vector<512x1xi32> to vector<512x1xf32>
    %mul3A_48 = vector.broadcast %convert_element_type3A_47 : vector<512x1xf32> to vector<512x8xf32>
    %mul3A_49 = arith.mulf %convert_element_type3A_37, %mul3A_48 : vector<512x8xf32>
    %add3A_50 = arith.addf %convert_element_type3A_32, %mul3A_49 : vector<512x8xf32>
    %reduce_sum3A_51 = arith.constant dense<0.000000e+00> : vector<8xf32>
    %reduce_sum3A_52 = vector.multi_reduction <add>, %add3A_50, %reduce_sum3A_51 [0] : vector<512x8xf32> to vector<8xf32>
    %broadcast_in_dim3A_53 = vector.shape_cast %reduce_sum3A_52 : vector<8xf32> to vector<1x8xf32>
    %eq3A_54 = arith.constant 0 : i32
    %eq3A_55 = arith.cmpi eq, %arg0, %eq3A_54 : i32
    %convert_element_type3A_56 = arith.extui %eq3A_55 : i1 to i32
    %cond3A = arith.constant 0 : i32
    %cond3A_57 = arith.cmpi ne, %convert_element_type3A_56, %cond3A : i32
    scf.if %cond3A_57 {
      %broadcast_in_dim3A_72 = arith.constant 0.000000e+00 : f32
      %broadcast_in_dim3A_73 = vector.broadcast %broadcast_in_dim3A_72 : f32 to vector<1x8xf32>
      %swap3A_74 = arith.constant 0 : index
      %swap3A_75 = arith.constant 0 : index
      %swap3A_76 = vector.load %arg5[%swap3A_74, %swap3A_75] : memref<1x8xf32, #tpu.memory_space<vmem>>, vector<1x8xf32>
      tpu.vector_store %arg5[%swap3A_74, %swap3A_75], %broadcast_in_dim3A_73 {strides = array<i32>} : memref<1x8xf32, #tpu.memory_space<vmem>>, vector<1x8xf32>,
      %broadcast_in_dim3A_77 = arith.constant 0.000000e+00 : f32
      %broadcast_in_dim3A_78 = vector.broadcast %broadcast_in_dim3A_77 : f32 to vector<1x8xf32>
      %swap3A_79 = arith.constant 0 : index
      %swap3A_80 = arith.constant 0 : index
      %swap3A_81 = vector.load %arg6[%swap3A_79, %swap3A_80] : memref<1x8xf32, #tpu.memory_space<vmem>>, vector<1x8xf32>
      tpu.vector_store %arg6[%swap3A_79, %swap3A_80], %broadcast_in_dim3A_78 {strides = array<i32>} : memref<1x8xf32, #tpu.memory_space<vmem>>, vector<1x8xf32>,
    } else {
    }
    %get3A_58 = arith.constant 0 : index
    %get3A_59 = arith.constant 0 : index
    %get3A_60 = vector.load %arg5[%get3A_58, %get3A_59] : memref<1x8xf32, #tpu.memory_space<vmem>>, vector<1x8xf32>
    %add3A_61 = arith.addf %get3A_60, %broadcast_in_dim3A_43 : vector<1x8xf32>
    %swap3A_62 = arith.constant 0 : index
    %swap3A_63 = arith.constant 0 : index
    %swap3A_64 = vector.load %arg5[%swap3A_62, %swap3A_63] : memref<1x8xf32, #tpu.memory_space<vmem>>, vector<1x8xf32>
    tpu.vector_store %arg5[%swap3A_62, %swap3A_63], %add3A_61 {strides = array<i32>} : memref<1x8xf32, #tpu.memory_space<vmem>>, vector<1x8xf32>,
    %get3A_65 = arith.constant 0 : index
    %get3A_66 = arith.constant 0 : index
    %get3A_67 = vector.load %arg6[%get3A_65, %get3A_66] : memref<1x8xf32, #tpu.memory_space<vmem>>, vector<1x8xf32>
    %add3A_68 = arith.addf %get3A_67, %broadcast_in_dim3A_53 : vector<1x8xf32>
    %swap3A_69 = arith.constant 0 : index
    %swap3A_70 = arith.constant 0 : index
    %swap3A_71 = vector.load %arg6[%swap3A_69, %swap3A_70] : memref<1x8xf32, #tpu.memory_space<vmem>>, vector<1x8xf32>
    tpu.vector_store %arg6[%swap3A_69, %swap3A_70], %add3A_68 {strides = array<i32>} : memref<1x8xf32, #tpu.memory_space<vmem>>, vector<1x8xf32>,
    return
  }
  func.func @transform_0(%arg0: i32) -> (i32, i32) {
    %c0_i32 = arith.constant 0 : i32
    %c0_i32_0 = arith.constant 0 : i32
    return %arg0, %c0_i32 : i32, i32
  }
  func.func @transform_1(%arg0: i32) -> (i32, i32) {
    %c0_i32 = arith.constant 0 : i32
    %c0_i32_0 = arith.constant 0 : i32
    %c0_i32_1 = arith.constant 0 : i32
    return %c0_i32, %c0_i32_0 : i32, i32
  }
  func.func @transform_2(%arg0: i32) -> (i32, i32) {
    %c0_i32 = arith.constant 0 : i32
    %c0_i32_0 = arith.constant 0 : i32
    return %arg0, %c0_i32 : i32, i32
  }
  func.func @transform_3(%arg0: i32) -> (i32, i32) {
    %c0_i32 = arith.constant 0 : i32
    %c0_i32_0 = arith.constant 0 : i32
    return %arg0, %c0_i32 : i32, i32
  }
  func.func @transform_4(%arg0: i32) -> (i32, i32) {
    %c0_i32 = arith.constant 0 : i32
    %c0_i32_0 = arith.constant 0 : i32
    %c0_i32_1 = arith.constant 0 : i32
    return %c0_i32, %c0_i32_0 : i32, i32
  }
  func.func @transform_5(%arg0: i32) -> (i32, i32) {
    %c0_i32 = arith.constant 0 : i32
    %c0_i32_0 = arith.constant 0 : i32
    %c0_i32_1 = arith.constant 0 : i32
    return %c0_i32, %c0_i32_0 : i32, i32
  }
}

module attributes {stable_mosaic.version = 14 : i64} {
  func.func @_gmm_body(%arg0: i32, %arg1: memref<24xi32, #tpu.memory_space<smem>>, %arg2: memref<512x1024xbf16, #tpu.memory_space<vmem>>, %arg3: memref<1x1024x1024xbf16, #tpu.memory_space<vmem>>, %arg4: memref<1x1x1024xf32, #tpu.memory_space<vmem>>, %arg5: memref<1x1024x1024xbf16, #tpu.memory_space<vmem>>, %arg6: memref<1x1x1024xf32, #tpu.memory_space<vmem>>, %arg7: memref<512x1024xbf16, #tpu.memory_space<vmem>>) attributes {dimension_semantics = [#tpu.dimension_semantics<arbitrary>], iteration_bounds = array<i64: 24>, scalar_prefetch = 1 : i64, scratch_operands = 0 : i64, tpu.core_type = #tpu.core_type<tc>, window_params = [{transform_indices = @transform_0, window_bounds = array<i64: 512, 1024>}, {transform_indices = @transform_1, window_bounds = array<i64: 1, 1024, 1024>}, {transform_indices = @transform_2, window_bounds = array<i64: 1, 1, 1024>}, {transform_indices = @transform_3, window_bounds = array<i64: 1, 1024, 1024>}, {transform_indices = @transform_4, window_bounds = array<i64: 1, 1, 1024>}, {transform_indices = @transform_5, window_bounds = array<i64: 512, 1024>}]} {
    %get3A = arith.constant 0 : index
    %get3A_0 = arith.constant 0 : index
    %get3A_1 = vector.load %arg2[%get3A, %get3A_0] : memref<512x1024xbf16, #tpu.memory_space<vmem>>, vector<512x1024xbf16>
    %get3A_2 = arith.constant 0 : index
    %get3A_3 = arith.constant 0 : index
    %get3A_4 = arith.constant 0 : index
    %get3A_5 = vector.load %arg3[%get3A_2, %get3A_3, %get3A_4] : memref<1x1024x1024xbf16, #tpu.memory_space<vmem>>, vector<1x1024x1024xbf16>
    %get3A_6 = vector.shape_cast %get3A_5 : vector<1x1024x1024xbf16> to vector<1024x1024xbf16>
    %dot_general3A = arith.constant dense<0.000000e+00> : vector<512x1024xf32>
    %dot_general3A_7 = tpu.matmul %get3A_1, %get3A_6, %dot_general3A {dimension_numbers = #tpu.dot_dimension_numbers<[1], [0], [0], [1], [0, 0, 1, 1], [], []>, transpose_lhs_hint = false} : vector<512x1024xbf16>, vector<1024x1024xbf16>, vector<512x1024xf32> -> vector<512x1024xf32>
    %get3A_8 = arith.constant 0 : index
    %get3A_9 = arith.constant 0 : index
    %get3A_10 = arith.constant 0 : index
    %get3A_11 = vector.load %arg4[%get3A_8, %get3A_9, %get3A_10] : memref<1x1x1024xf32, #tpu.memory_space<vmem>>, vector<1x1x1024xf32>
    %get3A_12 = vector.shape_cast %get3A_11 : vector<1x1x1024xf32> to vector<1x1024xf32>
    %add3A = vector.broadcast %get3A_12 : vector<1x1024xf32> to vector<512x1024xf32>
    %add3A_13 = arith.addf %dot_general3A_7, %add3A : vector<512x1024xf32>
    %tanh3A = math.tanh %add3A_13 : vector<512x1024xf32>
    %convert_element_type3A = arith.truncf %tanh3A : vector<512x1024xf32> to vector<512x1024xbf16>
    %get3A_14 = arith.constant 0 : index
    %get3A_15 = arith.constant 0 : index
    %get3A_16 = arith.constant 0 : index
    %get3A_17 = vector.load %arg5[%get3A_14, %get3A_15, %get3A_16] : memref<1x1024x1024xbf16, #tpu.memory_space<vmem>>, vector<1x1024x1024xbf16>
    %get3A_18 = vector.shape_cast %get3A_17 : vector<1x1024x1024xbf16> to vector<1024x1024xbf16>
    %dot_general3A_19 = arith.constant dense<0.000000e+00> : vector<512x1024xf32>
    %dot_general3A_20 = tpu.matmul %convert_element_type3A, %get3A_18, %dot_general3A_19 {dimension_numbers = #tpu.dot_dimension_numbers<[1], [0], [0], [1], [0, 0, 1, 1], [], []>, transpose_lhs_hint = false} : vector<512x1024xbf16>, vector<1024x1024xbf16>, vector<512x1024xf32> -> vector<512x1024xf32>
    %get3A_21 = arith.constant 0 : index
    %get3A_22 = arith.constant 0 : index
    %get3A_23 = arith.constant 0 : index
    %get3A_24 = vector.load %arg6[%get3A_21, %get3A_22, %get3A_23] : memref<1x1x1024xf32, #tpu.memory_space<vmem>>, vector<1x1x1024xf32>
    %get3A_25 = vector.shape_cast %get3A_24 : vector<1x1x1024xf32> to vector<1x1024xf32>
    %add3A_26 = vector.broadcast %get3A_25 : vector<1x1024xf32> to vector<512x1024xf32>
    %add3A_27 = arith.addf %dot_general3A_20, %add3A_26 : vector<512x1024xf32>
    %convert_element_type3A_28 = arith.truncf %add3A_27 : vector<512x1024xf32> to vector<512x1024xbf16>
    %swap3A = arith.constant 0 : index
    %swap3A_29 = arith.constant 0 : index
    %swap3A_30 = vector.load %arg7[%swap3A, %swap3A_29] : memref<512x1024xbf16, #tpu.memory_space<vmem>>, vector<512x1024xbf16>
    tpu.vector_store %arg7[%swap3A, %swap3A_29], %convert_element_type3A_28 {strides = array<i32>} : memref<512x1024xbf16, #tpu.memory_space<vmem>>, vector<512x1024xbf16>,
    return
  }
  func.func @transform_0(%arg0: i32, %arg1: memref<24xi32, #tpu.memory_space<smem>>) -> (i32, i32) {
    %c0_i32 = arith.constant 0 : i32
    %c0_i32_0 = arith.constant 0 : i32
    return %arg0, %c0_i32 : i32, i32
  }
  func.func @transform_1(%arg0: i32, %arg1: memref<24xi32, #tpu.memory_space<smem>>) -> (i32, i32, i32) {
    %get3A = arith.index_cast %arg0 : i32 to index
    %get3A_0 = memref.load %arg1[%get3A] : memref<24xi32, #tpu.memory_space<smem>>
    %c0_i32 = arith.constant 0 : i32
    %c0_i32_1 = arith.constant 0 : i32
    %c0_i32_2 = arith.constant 0 : i32
    return %get3A_0, %c0_i32, %c0_i32_1 : i32, i32, i32
  }
  func.func @transform_2(%arg0: i32, %arg1: memref<24xi32, #tpu.memory_space<smem>>) -> (i32, i32, i32) {
    %get3A = arith.index_cast %arg0 : i32 to index
    %get3A_0 = memref.load %arg1[%get3A] : memref<24xi32, #tpu.memory_space<smem>>
    %c0_i32 = arith.constant 0 : i32
    %c0_i32_1 = arith.constant 0 : i32
    %c0_i32_2 = arith.constant 0 : i32
    return %get3A_0, %c0_i32, %c0_i32_1 : i32, i32, i32
  }
  func.func @transform_3(%arg0: i32, %arg1: memref<24xi32, #tpu.memory_space<smem>>) -> (i32, i32, i32) {
    %get3A = arith.index_cast %arg0 : i32 to index
    %get3A_0 = memref.load %arg1[%get3A] : memref<24xi32, #tpu.memory_space<smem>>
    %c0_i32 = arith.constant 0 : i32
    %c0_i32_1 = arith.constant 0 : i32
    %c0_i32_2 = arith.constant 0 : i32
    return %get3A_0, %c0_i32, %c0_i32_1 : i32, i32, i32
  }
  func.func @transform_4(%arg0: i32, %arg1: memref<24xi32, #tpu.memory_space<smem>>) -> (i32, i32, i32) {
    %get3A = arith.index_cast %arg0 : i32 to index
    %get3A_0 = memref.load %arg1[%get3A] : memref<24xi32, #tpu.memory_space<smem>>
    %c0_i32 = arith.constant 0 : i32
    %c0_i32_1 = arith.constant 0 : i32
    %c0_i32_2 = arith.constant 0 : i32
    return %get3A_0, %c0_i32, %c0_i32_1 : i32, i32, i32
  }
  func.func @transform_5(%arg0: i32, %arg1: memref<24xi32, #tpu.memory_space<smem>>) -> (i32, i32) {
    %c0_i32 = arith.constant 0 : i32
    %c0_i32_0 = arith.constant 0 : i32
    return %arg0, %c0_i32 : i32, i32
  }
}

module attributes {stable_mosaic.version = 14 : i64} {
  func.func @_mlp_body(%arg0: i32, %arg1: memref<512x1024xbf16, #tpu.memory_space<vmem>>, %arg2: memref<512x1024xbf16, #tpu.memory_space<vmem>>, %arg3: memref<512x2xf32, #tpu.memory_space<vmem>>, %arg4: memref<1024x1024xbf16, #tpu.memory_space<vmem>>, %arg5: memref<1x1024xf32, #tpu.memory_space<vmem>>, %arg6: memref<1024x1024xbf16, #tpu.memory_space<vmem>>, %arg7: memref<1x1024xf32, #tpu.memory_space<vmem>>, %arg8: memref<1024x1024xbf16, #tpu.memory_space<vmem>>, %arg9: memref<1x1024xf32, #tpu.memory_space<vmem>>, %arg10: memref<512x1024xf32, #tpu.memory_space<vmem>>) attributes {dimension_semantics = [#tpu.dimension_semantics<arbitrary>], iteration_bounds = array<i64: 8>, scalar_prefetch = 0 : i64, scratch_operands = 0 : i64, tpu.core_type = #tpu.core_type<tc>, window_params = [{transform_indices = @transform_0, window_bounds = array<i64: 512, 1024>}, {transform_indices = @transform_1, window_bounds = array<i64: 512, 1024>}, {transform_indices = @transform_2, window_bounds = array<i64: 512, 2>}, {pipeline_mode = #tpu.pipeline_mode<synchronous>, transform_indices = @transform_3, window_bounds = array<i64: 1024, 1024>}, {pipeline_mode = #tpu.pipeline_mode<synchronous>, transform_indices = @transform_4, window_bounds = array<i64: 1, 1024>}, {pipeline_mode = #tpu.pipeline_mode<synchronous>, transform_indices = @transform_5, window_bounds = array<i64: 1024, 1024>}, {pipeline_mode = #tpu.pipeline_mode<synchronous>, transform_indices = @transform_6, window_bounds = array<i64: 1, 1024>}, {pipeline_mode = #tpu.pipeline_mode<synchronous>, transform_indices = @transform_7, window_bounds = array<i64: 1024, 1024>}, {pipeline_mode = #tpu.pipeline_mode<synchronous>, transform_indices = @transform_8, window_bounds = array<i64: 1, 1024>}, {transform_indices = @transform_9, window_bounds = array<i64: 512, 1024>}]} {
    %get3A = arith.constant 0 : index
    %get3A_0 = arith.constant 0 : index
    %get3A_1 = vector.load %arg3[%get3A, %get3A_0] : memref<512x2xf32, #tpu.memory_space<vmem>>, vector<512x2xf32>
    %convert_element_type3A = arith.truncf %get3A_1 : vector<512x2xf32> to vector<512x2xbf16>
    %convert_element_type3A_2 = arith.extf %convert_element_type3A : vector<512x2xbf16> to vector<512x2xf32>
    %slice3A = vector.extract_strided_slice %convert_element_type3A_2 {offsets = [0, 0], sizes = [512, 1], strides = [1, 1]} : vector<512x2xf32> to vector<512x1xf32>
    %slice3A_3 = vector.extract_strided_slice %convert_element_type3A_2 {offsets = [0, 1], sizes = [512, 1], strides = [1, 1]} : vector<512x2xf32> to vector<512x1xf32>
    %get3A_4 = arith.constant 0 : index
    %get3A_5 = arith.constant 0 : index
    %get3A_6 = vector.load %arg1[%get3A_4, %get3A_5] : memref<512x1024xbf16, #tpu.memory_space<vmem>>, vector<512x1024xbf16>
    %convert_element_type3A_7 = arith.extf %get3A_6 : vector<512x1024xbf16> to vector<512x1024xf32>
    %mul3A = vector.broadcast %slice3A : vector<512x1xf32> to vector<512x1024xf32>
    %mul3A_8 = arith.mulf %convert_element_type3A_7, %mul3A : vector<512x1024xf32>
    %get3A_9 = arith.constant 0 : index
    %get3A_10 = arith.constant 0 : index
    %get3A_11 = vector.load %arg2[%get3A_9, %get3A_10] : memref<512x1024xbf16, #tpu.memory_space<vmem>>, vector<512x1024xbf16>
    %convert_element_type3A_12 = arith.extf %get3A_11 : vector<512x1024xbf16> to vector<512x1024xf32>
    %mul3A_13 = vector.broadcast %slice3A_3 : vector<512x1xf32> to vector<512x1024xf32>
    %mul3A_14 = arith.mulf %convert_element_type3A_12, %mul3A_13 : vector<512x1024xf32>
    %add3A = arith.addf %mul3A_8, %mul3A_14 : vector<512x1024xf32>
    %convert_element_type3A_15 = arith.truncf %add3A : vector<512x1024xf32> to vector<512x1024xbf16>
    %get3A_16 = arith.constant 0 : index
    %get3A_17 = arith.constant 0 : index
    %get3A_18 = vector.load %arg4[%get3A_16, %get3A_17] : memref<1024x1024xbf16, #tpu.memory_space<vmem>>, vector<1024x1024xbf16>
    %dot_general3A = arith.constant dense<0.000000e+00> : vector<512x1024xf32>
    %dot_general3A_19 = tpu.matmul %convert_element_type3A_15, %get3A_18, %dot_general3A {dimension_numbers = #tpu.dot_dimension_numbers<[1], [0], [0], [1], [0, 0, 1, 1], [], []>, transpose_lhs_hint = false} : vector<512x1024xbf16>, vector<1024x1024xbf16>, vector<512x1024xf32> -> vector<512x1024xf32>
    %get3A_20 = arith.constant 0 : index
    %get3A_21 = arith.constant 0 : index
    %get3A_22 = vector.load %arg5[%get3A_20, %get3A_21] : memref<1x1024xf32, #tpu.memory_space<vmem>>, vector<1x1024xf32>
    %add3A_23 = vector.broadcast %get3A_22 : vector<1x1024xf32> to vector<512x1024xf32>
    %add3A_24 = arith.addf %dot_general3A_19, %add3A_23 : vector<512x1024xf32>
    %tanh3A = math.tanh %add3A_24 : vector<512x1024xf32>
    %convert_element_type3A_25 = arith.truncf %tanh3A : vector<512x1024xf32> to vector<512x1024xbf16>
    %get3A_26 = arith.constant 0 : index
    %get3A_27 = arith.constant 0 : index
    %get3A_28 = vector.load %arg6[%get3A_26, %get3A_27] : memref<1024x1024xbf16, #tpu.memory_space<vmem>>, vector<1024x1024xbf16>
    %dot_general3A_29 = arith.constant dense<0.000000e+00> : vector<512x1024xf32>
    %dot_general3A_30 = tpu.matmul %convert_element_type3A_25, %get3A_28, %dot_general3A_29 {dimension_numbers = #tpu.dot_dimension_numbers<[1], [0], [0], [1], [0, 0, 1, 1], [], []>, transpose_lhs_hint = false} : vector<512x1024xbf16>, vector<1024x1024xbf16>, vector<512x1024xf32> -> vector<512x1024xf32>
    %get3A_31 = arith.constant 0 : index
    %get3A_32 = arith.constant 0 : index
    %get3A_33 = vector.load %arg7[%get3A_31, %get3A_32] : memref<1x1024xf32, #tpu.memory_space<vmem>>, vector<1x1024xf32>
    %add3A_34 = vector.broadcast %get3A_33 : vector<1x1024xf32> to vector<512x1024xf32>
    %add3A_35 = arith.addf %dot_general3A_30, %add3A_34 : vector<512x1024xf32>
    %tanh3A_36 = math.tanh %add3A_35 : vector<512x1024xf32>
    %convert_element_type3A_37 = arith.truncf %tanh3A_36 : vector<512x1024xf32> to vector<512x1024xbf16>
    %get3A_38 = arith.constant 0 : index
    %get3A_39 = arith.constant 0 : index
    %get3A_40 = vector.load %arg8[%get3A_38, %get3A_39] : memref<1024x1024xbf16, #tpu.memory_space<vmem>>, vector<1024x1024xbf16>
    %dot_general3A_41 = arith.constant dense<0.000000e+00> : vector<512x1024xf32>
    %dot_general3A_42 = tpu.matmul %convert_element_type3A_37, %get3A_40, %dot_general3A_41 {dimension_numbers = #tpu.dot_dimension_numbers<[1], [0], [0], [1], [0, 0, 1, 1], [], []>, transpose_lhs_hint = false} : vector<512x1024xbf16>, vector<1024x1024xbf16>, vector<512x1024xf32> -> vector<512x1024xf32>
    %get3A_43 = arith.constant 0 : index
    %get3A_44 = arith.constant 0 : index
    %get3A_45 = vector.load %arg9[%get3A_43, %get3A_44] : memref<1x1024xf32, #tpu.memory_space<vmem>>, vector<1x1024xf32>
    %add3A_46 = vector.broadcast %get3A_45 : vector<1x1024xf32> to vector<512x1024xf32>
    %add3A_47 = arith.addf %dot_general3A_42, %add3A_46 : vector<512x1024xf32>
    %swap3A = arith.constant 0 : index
    %swap3A_48 = arith.constant 0 : index
    %swap3A_49 = vector.load %arg10[%swap3A, %swap3A_48] : memref<512x1024xf32, #tpu.memory_space<vmem>>, vector<512x1024xf32>
    tpu.vector_store %arg10[%swap3A, %swap3A_48], %add3A_47 {strides = array<i32>} : memref<512x1024xf32, #tpu.memory_space<vmem>>, vector<512x1024xf32>,
    return
  }
  func.func @transform_0(%arg0: i32) -> (i32, i32) {
    %c0_i32 = arith.constant 0 : i32
    %c0_i32_0 = arith.constant 0 : i32
    return %arg0, %c0_i32 : i32, i32
  }
  func.func @transform_1(%arg0: i32) -> (i32, i32) {
    %c0_i32 = arith.constant 0 : i32
    %c0_i32_0 = arith.constant 0 : i32
    return %arg0, %c0_i32 : i32, i32
  }
  func.func @transform_2(%arg0: i32) -> (i32, i32) {
    %c0_i32 = arith.constant 0 : i32
    %c0_i32_0 = arith.constant 0 : i32
    return %arg0, %c0_i32 : i32, i32
  }
  func.func @transform_3(%arg0: i32) -> (i32, i32) {
    %c0_i32 = arith.constant 0 : i32
    %c0_i32_0 = arith.constant 0 : i32
    %c0_i32_1 = arith.constant 0 : i32
    return %c0_i32, %c0_i32_0 : i32, i32
  }
  func.func @transform_4(%arg0: i32) -> (i32, i32) {
    %c0_i32 = arith.constant 0 : i32
    %c0_i32_0 = arith.constant 0 : i32
    %c0_i32_1 = arith.constant 0 : i32
    return %c0_i32, %c0_i32_0 : i32, i32
  }
  func.func @transform_5(%arg0: i32) -> (i32, i32) {
    %c0_i32 = arith.constant 0 : i32
    %c0_i32_0 = arith.constant 0 : i32
    %c0_i32_1 = arith.constant 0 : i32
    return %c0_i32, %c0_i32_0 : i32, i32
  }
  func.func @transform_6(%arg0: i32) -> (i32, i32) {
    %c0_i32 = arith.constant 0 : i32
    %c0_i32_0 = arith.constant 0 : i32
    %c0_i32_1 = arith.constant 0 : i32
    return %c0_i32, %c0_i32_0 : i32, i32
  }
  func.func @transform_7(%arg0: i32) -> (i32, i32) {
    %c0_i32 = arith.constant 0 : i32
    %c0_i32_0 = arith.constant 0 : i32
    %c0_i32_1 = arith.constant 0 : i32
    return %c0_i32, %c0_i32_0 : i32, i32
  }
  func.func @transform_8(%arg0: i32) -> (i32, i32) {
    %c0_i32 = arith.constant 0 : i32
    %c0_i32_0 = arith.constant 0 : i32
    %c0_i32_1 = arith.constant 0 : i32
    return %c0_i32, %c0_i32_0 : i32, i32
  }
  func.func @transform_9(%arg0: i32) -> (i32, i32) {
    %c0_i32 = arith.constant 0 : i32
    %c0_i32_0 = arith.constant 0 : i32
    return %arg0, %c0_i32 : i32, i32
  }
}

</mosaic_0001>

<sc_bundles>
// kernel: gather_offload_async_start
scs
__scs_entry_jumppad:
0x0: {  	(pc) =	sbr.rel $0x88, $3  }
0x1: {  	(tag) =	ssettag $0x0;
	lr =	simm.s32 $0x1  }
0x2: {  	[smem:$0x3F95] =	sst lr;
	_ =	strace $0xD0000000  }
0x3: {  	_ = 	snop  }
0x4: {  	_ = 	snop  }
0x5: {  	_ = 	snop  }
0x6: {  	_ = 	snop  }
0x7: {  	_ = 	snop  }
__scs_overlays_trampoline_lowered:
0x8: {  	[smem:$0x3FA4] =	sst s0  }
0x9: {  	[smem:$0x3FA5] =	sst s1  }
0xa: {  	[smem:$0x3FA6] =	sst s2  }
0xb: {  	[smem:$0x3FA7] =	sst s3  }
0xc: {  	[smem:$0x3FA8] =	sst s4  }
0xd: {  	[smem:$0x3FA9] =	sst s5  }
0xe: {  	[smem:$0x3FAA] =	sst s6  }
0xf: {  	[smem:$0x3FAB] =	sst s7  }
0x10: {  	[smem:$0x3FAC] =	sst s8  }
0x11: {  	[smem:$0x3FAD] =	sst s9;
	s0 =	simm.s32 @!p0 $0x0  }
0x12: {  	s1 =	sld [smem:$0x3F93];
	s0 =	simm.s32 @p0 $0x1  }
0x13: {  	[smem:$0x3FAE] =	sst s0;
	s0 =	simm.s32 @!p1 $0x0  }
0x14: {  	s2 =	sld [smem:$0x3F92];
	s0 =	simm.s32 @p1 $0x1  }
0x15: {  	[smem:$0x3FAF] =	sst s0;
	s0 =	simm.s32 @!p2 $0x0  }
0x16: {  	s3 =	sld [smem:$0x3FDB];
	s0 =	simm.s32 @p2 $0x1  }
0x17: {  	s4 =	simm.s32 $0x1BF5;
	[smem:$0x3FB1] =	sst s0  }
0x18: {  	s0 =	sld [smem:$0x3F94];
	_ =	swait.ge [sflag:s4], $0x0  }
0x19: {  	s7 =	sld [smem:$0x3F95]  }
0x1a: {  	s8 =	sadd.s32 $0xFFFFE003, lr  }
0x1b: {  	s9 =	sadd.s32 $0xFFFFFEF7, lr;
	s5 =	simm.s32 $0xFFFFFFFF;
	p2 =	slt.u32 s8, $0xFFFFF086  }
0x1c: {  	p1 =	slt.u32 s9, $0xF7A;
	s5 =	simm.s32 @!p2 $0x0  }
0x1d: {  	s5 =	simm.s32 @p1 $0x1;
	p0 =	seq.s32 s7, s2  }
0x1e: {  	s7 =	smul.u32 @!p0 $0xF7A, s2;
	p2 =	seq.s32 @!p0 s5, $0x0  }
0x1f: {  	s9 =	smul.u32 $0xF7A, s1;
	s8 =	simm.s32 @!p0 $0x1BF5;
	p2 =	por !p2, p0  }
0x20: {  	[sflag:s8] =	ssyncset.s32 @!p0 $0xFFFFF086;
	s6 =	sadd.s32 @!p0 s3, s7;
	s7 =	simm.s32 @!p0 $0x108  }
0x21: {  	s3 =	sadd.s32 s3, s9;
	s6 =	sadd.s32 @!p0 $0x88, s6;
	s7 =	simm.s32 @p2 $0x1082  }
0x22: {  	[simem:s7], [sflag:s8] =	dma.local @!p0 [hbm:s6], $0xF7A  }
0x23: {  	s9 =	sor.u32 $0xD0000000, s2;
	s6 =	simm.s32 $0x108;
	_ =	swait.ge @!p0 [sflag:s8], $0x0  }
0x24: {  	s3 =	sadd.s32 $0x88, s3;
	s6 =	simm.s32 @!p1 $0x1082;
	[sflag:s4] =	ssyncset.s32 $0xFFFFF086  }
0x25: {  	[simem:s6], [sflag:s4] =	dma.local [hbm:s3], $0xF7A  }
0x26: {  	[smem:$0x3F95] =	sst s1;
	(tag) =	ssettag s2;
	_ =	strace s9  }
0x27: {  	s1 =	sld [smem:$0x3FA5]  }
0x28: {  	s2 =	sld [smem:$0x3FA6]  }
0x29: {  	s4 =	sld [smem:$0x3FA8]  }
0x2a: {  	p0 =	seq.s32 s5, $0x0;
	s5 =	sld [smem:$0x3FA9]  }
0x2b: {  	s6 =	sld [smem:$0x3FAA]  }
0x2c: {  	s7 =	sld [smem:$0x3FAB]  }
0x2d: {  	s3 =	simm.s32 $0x108;
	s8 =	sld [smem:$0x3FAC]  }
0x2e: {  	s3 =	simm.s32 @!p0 $0x1082;
	s9 =	sld [smem:$0x3FAD]  }
0x2f: {  	lr =	sadd.s32 s0, s3;
	s0 =	sld [smem:$0x3FA4]  }
0x30: {  	s3 =	sld [smem:$0x3FA7]  }
0x31: {  	[smem:$0x3FB0] =	sst s10  }
0x32: {  	s10 =	sld [smem:$0x3FAE];
	_ =	sdelay $0x3  }
0x33: {  	p0 =	seq.s32 s10, $0x1;
	s10 =	sld [smem:$0x3FB0];
	_ =	sdelay $0x3  }
0x34: {  	[smem:$0x3FB0] =	sst s10  }
0x35: {  	s10 =	sld [smem:$0x3FAF];
	_ =	sdelay $0x3  }
0x36: {  	p1 =	seq.s32 s10, $0x1;
	s10 =	sld [smem:$0x3FB0];
	_ =	sdelay $0x3  }
0x37: {  	[smem:$0x3FB0] =	sst s10  }
0x38: {  	s10 =	sld [smem:$0x3FB1]  }
0x39: {  	_ = 	snop;
	(pc) =	sbr.ind lr, $3  }
0x3a: {  	_ = 	snop  }
0x3b: {  	_ = 	snop  }
0x3c: {  	p2 =	seq.s32 s10, $0x1;
	s10 =	sld [smem:$0x3FB0]  }
0x3d: {  	_ =	shalt  }
0x3e: {  	_ =	shalt  }
0x3f: {  	_ =	shalt  }
0x40: {  	_ =	shalt  }
0x41: {  	_ =	shalt  }
0x42: {  	_ =	shalt  }
0x43: {  	_ =	shalt  }
0x44: {  	_ =	shalt  }
0x45: {  	_ =	shalt  }
0x46: {  	_ =	shalt  }
0x47: {  	_ =	shalt  }
0x48: {  	_ =	shalt  }
0x49: {  	_ =	shalt  }
0x4a: {  	_ =	shalt  }
0x4b: {  	_ =	shalt  }
0x4c: {  	_ =	shalt  }
0x4d: {  	_ =	shalt  }
0x4e: {  	_ =	shalt  }
0x4f: {  	_ =	shalt  }
0x50: {  	_ =	shalt  }
0x51: {  	_ =	shalt  }
0x52: {  	_ =	shalt  }
0x53: {  	_ =	shalt  }
0x54: {  	_ =	shalt  }
0x55: {  	_ =	shalt  }
0x56: {  	_ =	shalt  }
0x57: {  	_ =	shalt  }
0x58: {  	_ =	shalt  }
0x59: {  	_ =	shalt  }
0x5a: {  	_ =	shalt  }
0x5b: {  	_ =	shalt  }
0x5c: {  	_ =	shalt  }
0x5d: {  	_ =	shalt  }
0x5e: {  	_ =	shalt  }
0x5f: {  	_ =	shalt  }
0x60: {  	_ =	shalt  }
0x61: {  	_ =	shalt  }
0x62: {  	_ =	shalt  }
0x63: {  	_ =	shalt  }
0x64: {  	_ =	shalt  }
0x65: {  	_ =	shalt  }
0x66: {  	_ =	shalt  }
0x67: {  	_ =	shalt  }
0x68: {  	_ =	shalt  }
0x69: {  	_ =	shalt  }
0x6a: {  	_ =	shalt  }
0x6b: {  	_ =	shalt  }
0x6c: {  	_ =	shalt  }
0x6d: {  	_ =	shalt  }
0x6e: {  	_ =	shalt  }
0x6f: {  	_ =	shalt  }
0x70: {  	_ =	shalt  }
0x71: {  	_ =	shalt  }
0x72: {  	_ =	shalt  }
0x73: {  	_ =	shalt  }
0x74: {  	_ =	shalt  }
0x75: {  	_ =	shalt  }
0x76: {  	_ =	shalt  }
0x77: {  	_ =	shalt  }
0x78: {  	_ =	shalt  }
0x79: {  	_ =	shalt  }
0x7a: {  	_ =	shalt  }
0x7b: {  	_ =	shalt  }
0x7c: {  	_ =	shalt  }
0x7d: {  	_ =	shalt  }
0x7e: {  	_ =	shalt  }
0x7f: {  	_ =	shalt  }
0x80: {  	_ =	shalt  }
0x81: {  	_ =	shalt  }
0x82: {  	_ =	shalt  }
0x83: {  	_ =	shalt  }
0x84: {  	_ =	shalt  }
0x85: {  	_ =	shalt  }
0x86: {  	_ =	shalt  }
0x87: {  	_ =	shalt  }
.Lfunc_end0:
.L_simem_size_0:
called_computation.2_lowered:
.L_overlay_start_0:
0x88: {  	s2 =	sld [smem:$0x3FD9]  }
0x89: {  	s3 =	sld [smem:$0x3FFE];
	_ =	sdelay $0x1  }
0x8a: {  	s1 =	srdreg.scid  }
0x8b: {  	s0 =	sand.u32 $0x1, s1  }
0x8c: {  	s16 =	sshll.u32 s0, $0xA;
	s2 =	sadd.s32 s3, s2  }
0x8d: {  	s2 =	sadd.s32 s2, s16  }
0x8e: {  	[smem:$0x3FBC] =	sst s2  }
0x8f: {  	_ = 	snop  }
0x90: {  	(tm) =	ssettm $0x1  }
0x91: {  	s17 =	sld [smem:$0x3FFB];
	_ =	sdelay $0x3  }
0x92: {  	_ =	strace s17  }
0x93: {  	s2 =	sld [smem:$0x3FFC];
	_ =	sdelay $0x3  }
0x94: {  	_ =	strace s2  }
0x95: {  	s2 =	sld [smem:$0x3FFD];
	_ =	sdelay $0x3  }
0x96: {  	_ =	strace s2  }
0x97: {  	_ =	strace $0x8FFFFFFF  }
0x98: {  	s18 =	sld [smem:$0x3FDB];
	_ =	sdelay $0x1  }
0x99: {  	s19 =	simm.s32 $_scs_section_size  }
0x9a: {  	s4 =	simm.s32 $_size__tile_overlayer_lowered;
	s5 =	simm.s32 $_tile_overlayer_lowered  }
0x9b: {  	s22 =	simm.s32 $0x1BFF;
	s21 =	sshll.u32 s5, $0x1;
	s2 =	sadd.s32 s19, s18  }
0x9c: {  	s6 =	simm.s32 $0x0;
	s20 =	sshll.u32 s4, $0x1;
	s4 =	sadd.s32 s21, s2  }
0x9d: {  	[timem:s6], [sflag:s22] =	dma.local [hbm:s4], s20  }
0x9e: {  	_ =	swait.ge [sflag:s22], s20  }
0x9f: {  	s3 =	ssub.s32 $0x0, s20;
	[sflag:s22] =	ssyncset.done $0x0  }
0xa0: {  	[sflag:s22] =	ssyncadd.s32 s3;
	_ =	sdelay $0x1  }
0xa1: {  	s23 =	simm.s32 $0x1B8B  }
0xa2: {  	_ =	swait.ge [sflag:s23], $0x1  }
0xa3: {  	[sflag:s23] =	ssyncset.done $0x0  }
0xa4: {  	s25 =	simm.s32 $0x1B8E;
	s24 =	sld [smem:$0x3FFE];
	[sflag:s23] =	ssyncadd.s32 $0xFFFFFFFF  }
0xa5: {  	s26 =	simm.s32 $execute0_lowered;
	[smem:$0x3FD2] =	sst s25  }
0xa6: {  	s4 =	sshll.u32 s26, $0x1;
	_ =	strace $0x80000046;
	[dreg:$0x1] =	wrdreg $0xFFFFFFFF  }
0xa7: {  	s28 =	simm.s32 $_size_execute0_lowered;
	s2 =	sadd.s32 s2, s4;
	[dreg:$0x0] =	wrdreg $0x0  }
0xa8: {  	s4 =	sshll.u32 s28, $0x1;
	[dreg:$0x2] =	wrdreg s2  }
0xa9: {  	[dreg:$0x3] =	wrdreg s4  }
0xaa: {  	[dreg:$0x4] =	wrdreg $0xC0  }
0xab: {  	_ =	task [dreg:s6], $0x5FFFF  }
0xac: {  	[dreg:$0x1] =	wrdreg $0xFFFFFFFF  }
0xad: {  	[dreg:$0x0] =	wrdreg $0x60  }
0xae: {  	[dreg:$0x2] =	wrdreg s24  }
0xaf: {  	[dreg:$0x3] =	wrdreg $0x9  }
0xb0: {  	_ =	task.clear_ibuf [dreg:s6], $0x4FFFF;
	_ =	strace $0x90000046  }
0xb1: {  	s29 =	simm.s32 $0x9;
	_ =	strace $0x80000048  }
0xb2: {  	_ =	swait.ge [sflag:s29], $0x1  }
0xb3: {  	[sflag:s29] =	ssyncadd.s32 $0xFFFFFFFF  }
0xb4: {  	_ =	strace $0x90000048  }
0xb5: {  	_ =	sfence  }
0xb6: {  	s30 =	sld [smem:$0x0];
	_ =	sdelay $0x2  }
0xb7: {  	s31 =	sshll.u32 s1, $0xD;
	s1 =	sshrl.u32 s1, $0x2  }
0xb8: {  	s3 =	sand.u32 $0x4000, s31;
	s1 =	sadd.s32 s1, s30  }
0xb9: {  	s0 =	sor.u32 s3, s0;
	s1 =	sshll.u32 s1, $0x11  }
0xba: {  	s0 =	sor.u32 s1, s0  }
0xbb: {  	s0 =	sadd.s32 $0x8F2B, s0  }
0xbc: {  	[sflag:s0] =	ssyncadd.remote.s32 $0x1  }
0xbd: {  	_ =	sfence.sel $0xFFFF  }
0xbe: {  	[dreg:$0x0] =	wrdreg $0xFFFFFFFF;
	(pc) =	sbr.abs _section_cstart, $3  }
0xbf: {  	[dreg:$0x1] =	wrdreg $0xFFFFFFFF  }
0xc0: {  	_ =	task.clear_ibuf [dreg:s6], $0x2FFFF;
	_ =	strace $0x9FFFFFFF  }
0xc1: {  	(tm) =	ssettm $0x7FFFFFFF  }
tec
execute0_lowered:
.L_overlay_start_1:
0x0: {  	(tag) =	ssettag $0x1  }
0x1: {  	s0 =	srdreg.scid;
	s5 =	rddreg [dreg:$0x0]  }
0x2: {  	s1 =	stileid.u32;
	s6 =	simm.s32 $0x1;
	s9 =	simm.s32 $0x1  }
0x3: {  	s10 =	simm.s32 $0x3;
	s13 =	simm.s32 $0x0;
	s2 =	sshll.u32 s0, $0x7  }
0x4: {  	s12 =	simm.s32 $0x0;
	s3 =	sshll.u32 s1, $0x8;
	s2 =	sand.u32 $0x80, s2  }
0x5: {  	s0 =	rddreg [dreg:$0x1];
	_ =	strace $0x80000047;
	s2 =	sor.u32 s3, s2  }
0x6: {  	s4 =	sadd.s32 $0x23000, s5;
	[sflag:s6] =	ssyncpa.u1 $0x0;
	s8 =	ssub.s32 $0x2000, s2  }
.Ltmp0:
0x7: {  	s3 =	sadd.s32 $0x20400, s5;
	s7 =	sand.u32 $0xF80, s8;
	(pc) =	sbr.rel .LBB2_1-.Ltmp0, $4  }
0x8: {  	s5 =	sadd.s32 $0x22400, s5;
	s11 =	smov.u32 s2;
	p0 =	sne.s32 s7, $0x0  }
0x9: {  	s8 =	sshrl.u32 s8, $0xC;
	s7 =	simm.s32 $0x2;
	s9 =	simm.s32 @!p0 $0x0  }
0xa: {  	[sflag:s7] =	ssyncpa.u1 $0x0;
	p0 =	por $0x0, $0x0;
	s8 =	sadd.s32 s9, s8  }
0xb: {  	vm0 =	vmmov $0xffff;
	[sflag:s10] =	ssyncpa.u1 $0x0;
	s10 =	simm.s32 $0x0;
	s9 =	sadd.s32 $0x1, s8  }
.LBB2_4:
0xc: {  	v1 =	vsel vm1, $0xFFFFFFFF, v1;
	v2 =	vand.u32 $0x7, v2  }
0xd: {  	v2 =	vsel vm1, $0xFFFFFFFF, v2;
	v3 =	vshll.u32 v1, $0x3  }
0xe: {  	v4 =	vand.u32 $0xFFFF0000, v2;
	v3 =	vand.u32 $0xFFFFFC00, v3;
	v2 =	vshll.u32 v2, $0x7  }
0xf: {  	v3 =	vadd.s32 v3, v4;
	v2 =	vand.u32 $0x380, v2  }
0x10: {  	v1 =	vand.u32 $0x7F, v1;
	v2 =	vor.u32 v2, v3  }
0x11: {  	v1 =	vor.u32 v1, v2;
	_ =	sdelay $0x1  }
0x12: {  	(ifvalue) =	ssetifvalue $0x7FFFFFFF;
	s15 =	sadd.s32 $0x10, s15  }
0x13: {  	[tilespmem:s15], [sflag:$0x1] =	stream.indirect_vreg.gather [hbm4b:s3+s10], $0x1, v0, vm0, $0x4038;
	[tilespmem:$0x200] =	vst v63  }
0x14: {  	(ifvalue) =	ssetifvalue $0x7FFFFFFF;
	s15 =	sadd.s32 $0x10, s15  }
0x15: {  	[tilespmem:s15], [sflag:$0x1] =	stream.indirect_vreg.gather [hbm4b:s3+s10], $0x1, v1, vm0, $0x4038;
	[tilespmem:$0x200] =	vst v63  }
0x16: {  	_ =	swait.ge [sflag:s6], $0x80  }
0x17: {  	s30 =	sshrl.u32 s13, $0x3;
	[sflag:s6] =	ssyncset.done $0x0  }
0x18: {  	s31 =	sand.u32 $0x7, s13;
	s15 =	sadd.s32 s5, s30;
	[sflag:s6] =	ssyncadd.s32 $0xFFFFFF80  }
0x19: {  	[hbm4b:s15+s31] =	stream.linear.scatter [tilespmem:s14], [sflag:$0x3], $0x80, $0x38;
	[tilespmem:$0x200] =	vst v63  }
.LBB2_5:
0x1a: {  	s15 =	sadd.s32 $0x1000, s11  }
0x1b: {  	p2 =	sgt.s32 s15, $0x1FFF  }
0x1c: {  	s15 =	smov.u32 @p2 s2;
	p2 =	sne.s32 s12, s9  }
.Ltmp1:
0x1d: {  	p1 =	slt.u32 s12, $0x2;
	(pc) =	sbr.rel @!p2 .LBB2_6-.Ltmp1, $4  }
0x1e: {  	s14 =	simm.s32 @!p1 $0x3  }
0x1f: {  	s16 =	sadd.s32 $0x1, s12;
	_ =	swait.ge @!p1 [sflag:s14], $0x80  }
0x20: {  	s13 =	smov.u32 s11;
	p0 =	por !p0, !p0;
	[sflag:s14] =	ssyncset.done @!p1 $0x0  }
0x21: {  	s12 =	smov.u32 s16;
	s11 =	smov.u32 s15;
	[sflag:s14] =	ssyncadd.s32 @!p1 $0xFFFFFF80  }
.LBB2_1:
0x22: {  	p1 =	sge.u32 s12, s8  }
0x23: {  	s14 =	sxor.u32 @!p1 $0xFFFFFFFF, s12  }
0x24: {  	s31 =	sadd.s32 $0xFFFFFFFF, s12;
	s15 =	sshrl.u32 @!p1 s11, $0x3;
	s14 =	sshll.u32 @!p1 s14, $0x7  }
0x25: {  	s16 =	sand.u32 @!p1 $0x7, s11;
	s15 =	sadd.s32 @!p1 s4, s15;
	s14 =	sand.u32 @!p1 $0x80, s14  }
0x26: {  	[tilespmem:s14], [sflag:$0x2] =	stream.linear.gather @!p1 [hbm4b:s15+s16], $0x80, $0x38;
	[tilespmem:$0x200] =	vst v63  }
0x27: {  	p1 =	sge.u32 s31, s8  }
.Ltmp2:
0x28: {  	_ = 	snop;
	(pc) =	sbr.rel @p1 .LBB2_5-.Ltmp2, $1  }
0x29: {  	_ =	sdelay $0x3  }
0x2a: {  	s14 =	simm.s32 $0x1  }
0x2b: {  	_ =	swait.ge [sflag:s7], $0x80;
	s14 =	simm.s32 @!p0 $0x0  }
0x2c: {  	[sflag:s7] =	ssyncset.done $0x0;
	s14 =	sshll.u32 s14, $0x7  }
0x2d: {  	[sflag:s7] =	ssyncadd.s32 $0xFFFFFF80;
	(ifvalue) =	ssetifvalue $0x7FFFFFFF;
	v0 =	vld.msk [tilespmem:s14+$0x0 ss:$0x1], $0xffff;
	_ =	sdelay $0x3  }
0x2e: {  	s15 =	sadd.s32 $0x10, s14  }
0x2f: {  	v2 =	vld.msk [tilespmem:s15+$0x0 ss:$0x1], $0xffff;
	vm1 =	veq.s32 v0, $0x80000000;
	v1 =	vand.u32 $0x1FFF, v0;
	v0 =	vshrl.u32 v0, $0xD  }
0x30: {  	v1 =	vsel vm1, $0xFFFFFFFF, v1;
	v0 =	vand.u32 $0x7, v0  }
0x31: {  	v0 =	vsel vm1, $0xFFFFFFFF, v0;
	v3 =	vshll.u32 v1, $0x3  }
0x32: {  	v4 =	vand.u32 $0xFFFF0000, v0;
	v3 =	vand.u32 $0xFFFFFC00, v3;
	v0 =	vshll.u32 v0, $0x7  }
0x33: {  	v3 =	vadd.s32 v3, v4;
	v0 =	vand.u32 $0x380, v0  }
0x34: {  	v1 =	vand.u32 $0x7F, v1;
	vm1 =	veq.s32 v2, $0x80000000;
	v0 =	vor.u32 v0, v3  }
0x35: {  	v0 =	vor.u32 v1, v0;
	v1 =	vand.u32 $0x1FFF, v2;
	v2 =	vshrl.u32 v2, $0xD  }
0x36: {  	s17 =	sadd.s32 $0x10, s15;
	v1 =	vsel vm1, $0xFFFFFFFF, v1;
	v2 =	vand.u32 $0x7, v2  }
0x37: {  	v3 =	vld.msk [tilespmem:s17+$0x0 ss:$0x1], $0xffff;
	v2 =	vsel vm1, $0xFFFFFFFF, v2;
	v63 =	vshll.u32 v1, $0x3  }
0x38: {  	v5 =	vand.u32 $0xFFFF0000, v2;
	v4 =	vand.u32 $0xFFFFFC00, v63;
	v2 =	vshll.u32 v2, $0x7  }
0x39: {  	s31 =	sshll.u32 s12, $0x7;
	s15 =	sor.u32 $0x100, s14;
	(ifvalue) =	ssetifvalue $0x7FFFFFFF;
	v4 =	vadd.s32 v4, v5;
	v2 =	vand.u32 $0x380, v2  }
0x3a: {  	[tilespmem:s15], [sflag:$0x1] =	stream.indirect_vreg.gather [hbm4b:s3+s10], $0x1, v0, vm0, $0x4038;
	v0 =	vand.u32 $0x7F, v1;
	v1 =	vor.u32 v2, v4;
	[tilespmem:$0x200] =	vst v63  }
0x3b: {  	s14 =	sand.u32 $0x80, s31;
	v0 =	vor.u32 v0, v1  }
0x3c: {  	s16 =	simm.s32 $0x20;
	s14 =	sor.u32 $0x100, s14;
	s17 =	sadd.s32 $0x10, s17;
	vm1 =	veq.s32 v3, $0x80000000;
	v2 =	vshrl.u32 v3, $0xD;
	v1 =	vand.u32 $0x1FFF, v3  }
.LBB2_3:
0x3d: {  	v3 =	vld.msk [tilespmem:s17+$0x0 ss:$0x1], $0xffff;
	s16 =	sadd.s32 $0x10, s16;
	v1 =	vsel vm1, $0xFFFFFFFF, v1;
	v2 =	vand.u32 $0x7, v2  }
0x3e: {  	p1 =	slt.u32 s16, $0x70;
	v2 =	vsel vm1, $0xFFFFFFFF, v2;
	v4 =	vshll.u32 v1, $0x3  }
.Ltmp3:
0x3f: {  	s15 =	sadd.s32 $0x10, s15;
	v5 =	vand.u32 $0xFFFF0000, v2;
	v4 =	vand.u32 $0xFFFFFC00, v4;
	v2 =	vshll.u32 v2, $0x7;
	(ifvalue) =	ssetifvalue $0x7FFFFFFF;
	(pc) =	sbr.rel @p1 .LBB2_3-.Ltmp3, $4  }
0x40: {  	v4 =	vadd.s32 v4, v5;
	v2 =	vand.u32 $0x380, v2;
	[tilespmem:s15], [sflag:$0x1] =	stream.indirect_vreg.gather [hbm4b:s3+s10], $0x1, v0, vm0, $0x4038;
	[tilespmem:$0x200] =	vst v63  }
0x41: {  	v0 =	vand.u32 $0x7F, v1;
	v1 =	vor.u32 v2, v4  }
0x42: {  	v0 =	vor.u32 v0, v1  }
0x43: {  	s17 =	sadd.s32 $0x10, s17;
	vm1 =	veq.s32 v3, $0x80000000;
	v1 =	vand.u32 $0x1FFF, v3;
	v2 =	vshrl.u32 v3, $0xD  }
.Ltmp4:
0x44: {  	_ = 	snop;
	(pc) =	sbr.rel .LBB2_4-.Ltmp4, $1  }
0x45: {  	_ =	sdelay $0x3  }
.LBB2_6:
0x46: {  	_ =	sfence.sel $0x180000  }
0x47: {  	s2 =	simm.s32 $0x2;
	[bflag:$0x0] =	sbarrier.arrive $0xFFFF  }
0x48: {  	s30 =	simm.s32 $0x3;
	[sflag:s2] =	ssyncpa.u1 $0x1  }
0x49: {  	s31 =	simm.s32 $0x1;
	[sflag:s30] =	ssyncpa.u1 $0x1  }
0x4a: {  	[sflag:s31] =	ssyncpa.u1 $0x1  }
0x4b: {  	p0 =	sne.s32 s1, $0x0;
	_ =	strace $0x90000047  }
0x4c: {  	s0 =	sadd.s32 @!p0 $0x100000, s0;
	[bflag:$0x2] =	sbarrier.arrive $0xFFFF  }
0x4d: {  	[sflag:s0] =	ssyncadd.tile.s32 @!p0 $0x1;
	_ =	shalt  }
.Lfunc_end2:
_tile_overlayer_lowered:
.L_overlay_start_2:
0x4e: {  	(tag) =	ssettag $0x2  }
0x4f: {  	s0 =	rddreg [dreg:$0x0];
	s2 =	stileid.u32  }
0x50: {  	s1 =	rddreg [dreg:$0x1];
	p0 =	sne.s32 s2, $0x0  }
0x51: {  	s3 =	rddreg [dreg:$0x2];
	[bflag:$0x3] =	sbarrier.arrive $0xFFFF;
	s2 =	simm.s32 @!p0 $0x1C01  }
0x52: {  	[timem:s3], [sflag:s2] =	dma.local @!p0 [hbm:s0], s1  }
0x53: {  	s0 =	simm.s32 @!p0 $0x1  }
0x54: {  	_ =	swait.ge @!p0 [sflag:s0], s1  }
0x55: {  	s1 =	ssub.s32 @!p0 $0x0, s1;
	[sflag:s0] =	ssyncset.done @!p0 $0x0  }
0x56: {  	[sflag:s0] =	ssyncadd.s32 @!p0 s1  }
0x57: {  	[bflag:$0x3] =	sbarrier.arrive $0xFFFF  }
0x58: {  	_ =	shalt  }

// kernel: kernel.10.cloned.1.call-start
scs
__scs_entry_jumppad:
0x0: {  	(pc) =	sbr.rel $0x88, $3  }
0x1: {  	(tag) =	ssettag $0x0;
	lr =	simm.s32 $0x1  }
0x2: {  	[smem:$0x3F95] =	sst lr;
	_ =	strace $0xD0000000  }
0x3: {  	_ = 	snop  }
0x4: {  	_ = 	snop  }
0x5: {  	_ = 	snop  }
0x6: {  	_ = 	snop  }
0x7: {  	_ = 	snop  }
__scs_overlays_trampoline_lowered:
0x8: {  	[smem:$0x3FA4] =	sst s0  }
0x9: {  	[smem:$0x3FA5] =	sst s1  }
0xa: {  	[smem:$0x3FA6] =	sst s2  }
0xb: {  	[smem:$0x3FA7] =	sst s3  }
0xc: {  	[smem:$0x3FA8] =	sst s4  }
0xd: {  	[smem:$0x3FA9] =	sst s5  }
0xe: {  	[smem:$0x3FAA] =	sst s6  }
0xf: {  	[smem:$0x3FAB] =	sst s7  }
0x10: {  	[smem:$0x3FAC] =	sst s8  }
0x11: {  	[smem:$0x3FAD] =	sst s9;
	s0 =	simm.s32 @!p0 $0x0  }
0x12: {  	s1 =	sld [smem:$0x3F93];
	s0 =	simm.s32 @p0 $0x1  }
0x13: {  	[smem:$0x3FAE] =	sst s0;
	s0 =	simm.s32 @!p1 $0x0  }
0x14: {  	s2 =	sld [smem:$0x3F92];
	s0 =	simm.s32 @p1 $0x1  }
0x15: {  	[smem:$0x3FAF] =	sst s0;
	s0 =	simm.s32 @!p2 $0x0  }
0x16: {  	s3 =	sld [smem:$0x3FDB];
	s0 =	simm.s32 @p2 $0x1  }
0x17: {  	s4 =	simm.s32 $0x1BF5;
	[smem:$0x3FB1] =	sst s0  }
0x18: {  	s0 =	sld [smem:$0x3F94];
	_ =	swait.ge [sflag:s4], $0x0  }
0x19: {  	s7 =	sld [smem:$0x3F95]  }
0x1a: {  	s8 =	sadd.s32 $0xFFFFE003, lr  }
0x1b: {  	s9 =	sadd.s32 $0xFFFFFEF7, lr;
	s5 =	simm.s32 $0xFFFFFFFF;
	p2 =	slt.u32 s8, $0xFFFFF086  }
0x1c: {  	p1 =	slt.u32 s9, $0xF7A;
	s5 =	simm.s32 @!p2 $0x0  }
0x1d: {  	s5 =	simm.s32 @p1 $0x1;
	p0 =	seq.s32 s7, s2  }
0x1e: {  	s7 =	smul.u32 @!p0 $0xF7A, s2;
	p2 =	seq.s32 @!p0 s5, $0x0  }
0x1f: {  	s9 =	smul.u32 $0xF7A, s1;
	s8 =	simm.s32 @!p0 $0x1BF5;
	p2 =	por !p2, p0  }
0x20: {  	[sflag:s8] =	ssyncset.s32 @!p0 $0xFFFFF086;
	s6 =	sadd.s32 @!p0 s3, s7;
	s7 =	simm.s32 @!p0 $0x108  }
0x21: {  	s3 =	sadd.s32 s3, s9;
	s6 =	sadd.s32 @!p0 $0x88, s6;
	s7 =	simm.s32 @p2 $0x1082  }
0x22: {  	[simem:s7], [sflag:s8] =	dma.local @!p0 [hbm:s6], $0xF7A  }
0x23: {  	s9 =	sor.u32 $0xD0000000, s2;
	s6 =	simm.s32 $0x108;
	_ =	swait.ge @!p0 [sflag:s8], $0x0  }
0x24: {  	s3 =	sadd.s32 $0x88, s3;
	s6 =	simm.s32 @!p1 $0x1082;
	[sflag:s4] =	ssyncset.s32 $0xFFFFF086  }
0x25: {  	[simem:s6], [sflag:s4] =	dma.local [hbm:s3], $0xF7A  }
0x26: {  	[smem:$0x3F95] =	sst s1;
	(tag) =	ssettag s2;
	_ =	strace s9  }
0x27: {  	s1 =	sld [smem:$0x3FA5]  }
0x28: {  	s2 =	sld [smem:$0x3FA6]  }
0x29: {  	s4 =	sld [smem:$0x3FA8]  }
0x2a: {  	p0 =	seq.s32 s5, $0x0;
	s5 =	sld [smem:$0x3FA9]  }
0x2b: {  	s6 =	sld [smem:$0x3FAA]  }
0x2c: {  	s7 =	sld [smem:$0x3FAB]  }
0x2d: {  	s3 =	simm.s32 $0x108;
	s8 =	sld [smem:$0x3FAC]  }
0x2e: {  	s3 =	simm.s32 @!p0 $0x1082;
	s9 =	sld [smem:$0x3FAD]  }
0x2f: {  	lr =	sadd.s32 s0, s3;
	s0 =	sld [smem:$0x3FA4]  }
0x30: {  	s3 =	sld [smem:$0x3FA7]  }
0x31: {  	[smem:$0x3FB0] =	sst s10  }
0x32: {  	s10 =	sld [smem:$0x3FAE];
	_ =	sdelay $0x3  }
0x33: {  	p0 =	seq.s32 s10, $0x1;
	s10 =	sld [smem:$0x3FB0];
	_ =	sdelay $0x3  }
0x34: {  	[smem:$0x3FB0] =	sst s10  }
0x35: {  	s10 =	sld [smem:$0x3FAF];
	_ =	sdelay $0x3  }
0x36: {  	p1 =	seq.s32 s10, $0x1;
	s10 =	sld [smem:$0x3FB0];
	_ =	sdelay $0x3  }
0x37: {  	[smem:$0x3FB0] =	sst s10  }
0x38: {  	s10 =	sld [smem:$0x3FB1]  }
0x39: {  	_ = 	snop;
	(pc) =	sbr.ind lr, $3  }
0x3a: {  	_ = 	snop  }
0x3b: {  	_ = 	snop  }
0x3c: {  	p2 =	seq.s32 s10, $0x1;
	s10 =	sld [smem:$0x3FB0]  }
0x3d: {  	_ =	shalt  }
0x3e: {  	_ =	shalt  }
0x3f: {  	_ =	shalt  }
0x40: {  	_ =	shalt  }
0x41: {  	_ =	shalt  }
0x42: {  	_ =	shalt  }
0x43: {  	_ =	shalt  }
0x44: {  	_ =	shalt  }
0x45: {  	_ =	shalt  }
0x46: {  	_ =	shalt  }
0x47: {  	_ =	shalt  }
0x48: {  	_ =	shalt  }
0x49: {  	_ =	shalt  }
0x4a: {  	_ =	shalt  }
0x4b: {  	_ =	shalt  }
0x4c: {  	_ =	shalt  }
0x4d: {  	_ =	shalt  }
0x4e: {  	_ =	shalt  }
0x4f: {  	_ =	shalt  }
0x50: {  	_ =	shalt  }
0x51: {  	_ =	shalt  }
0x52: {  	_ =	shalt  }
0x53: {  	_ =	shalt  }
0x54: {  	_ =	shalt  }
0x55: {  	_ =	shalt  }
0x56: {  	_ =	shalt  }
0x57: {  	_ =	shalt  }
0x58: {  	_ =	shalt  }
0x59: {  	_ =	shalt  }
0x5a: {  	_ =	shalt  }
0x5b: {  	_ =	shalt  }
0x5c: {  	_ =	shalt  }
0x5d: {  	_ =	shalt  }
0x5e: {  	_ =	shalt  }
0x5f: {  	_ =	shalt  }
0x60: {  	_ =	shalt  }
0x61: {  	_ =	shalt  }
0x62: {  	_ =	shalt  }
0x63: {  	_ =	shalt  }
0x64: {  	_ =	shalt  }
0x65: {  	_ =	shalt  }
0x66: {  	_ =	shalt  }
0x67: {  	_ =	shalt  }
0x68: {  	_ =	shalt  }
0x69: {  	_ =	shalt  }
0x6a: {  	_ =	shalt  }
0x6b: {  	_ =	shalt  }
0x6c: {  	_ =	shalt  }
0x6d: {  	_ =	shalt  }
0x6e: {  	_ =	shalt  }
0x6f: {  	_ =	shalt  }
0x70: {  	_ =	shalt  }
0x71: {  	_ =	shalt  }
0x72: {  	_ =	shalt  }
0x73: {  	_ =	shalt  }
0x74: {  	_ =	shalt  }
0x75: {  	_ =	shalt  }
0x76: {  	_ =	shalt  }
0x77: {  	_ =	shalt  }
0x78: {  	_ =	shalt  }
0x79: {  	_ =	shalt  }
0x7a: {  	_ =	shalt  }
0x7b: {  	_ =	shalt  }
0x7c: {  	_ =	shalt  }
0x7d: {  	_ =	shalt  }
0x7e: {  	_ =	shalt  }
0x7f: {  	_ =	shalt  }
0x80: {  	_ =	shalt  }
0x81: {  	_ =	shalt  }
0x82: {  	_ =	shalt  }
0x83: {  	_ =	shalt  }
0x84: {  	_ =	shalt  }
0x85: {  	_ =	shalt  }
0x86: {  	_ =	shalt  }
0x87: {  	_ =	shalt  }
.Lfunc_end0:
.L_simem_size_0:
called_computation.4_lowered:
.L_overlay_start_0:
0x88: {  	s2 =	sld [smem:$0x3FD9]  }
0x89: {  	s3 =	sld [smem:$0x3FFE];
	_ =	sdelay $0x1  }
0x8a: {  	s1 =	srdreg.scid  }
0x8b: {  	s0 =	sand.u32 $0x1, s1  }
0x8c: {  	s14 =	sshll.u32 s0, $0xA;
	s2 =	sadd.s32 s3, s2  }
0x8d: {  	s2 =	sadd.s32 s2, s14  }
0x8e: {  	[smem:$0x3FBC] =	sst s2  }
0x8f: {  	_ = 	snop  }
0x90: {  	s2 =	sld [smem:$0x3FD0];
	_ =	sdelay $0x2  }
0x91: {  	s15 =	simm.s32 $0xA;
	s4 =	simm.s32 $0x10  }
0x92: {  	[smem:s4], [sflag:s15] =	dma.local [hbm:s2], $0x1  }
0x93: {  	_ =	swait.eq [sflag:s15], $0x1  }
0x94: {  	[sflag:s15] =	ssyncset.done $0x0  }
0x95: {  	[sflag:s15] =	ssyncadd.s32 $0xFFFFFFFF  }
0x96: {  	s16 =	sld [smem:$0x10];
	(tm) =	ssettm $0x1  }
0x97: {  	s17 =	sld [smem:$0x3FFB];
	_ =	sdelay $0x3  }
0x98: {  	_ =	strace s17  }
0x99: {  	s3 =	sld [smem:$0x3FFC];
	_ =	sdelay $0x3  }
0x9a: {  	_ =	strace s3  }
0x9b: {  	s3 =	sld [smem:$0x3FFD];
	_ =	sdelay $0x3  }
0x9c: {  	_ =	strace s3  }
0x9d: {  	_ =	strace $0x8FFFFFFF  }
0x9e: {  	s18 =	sld [smem:$0x3FDB];
	_ =	sdelay $0x1  }
0x9f: {  	s19 =	simm.s32 $_scs_section_size  }
0xa0: {  	s5 =	simm.s32 $_size__tile_overlayer_lowered;
	s6 =	simm.s32 $_tile_overlayer_lowered  }
0xa1: {  	s22 =	simm.s32 $0x1BFF;
	s21 =	sshll.u32 s6, $0x1;
	s3 =	sadd.s32 s19, s18  }
0xa2: {  	s7 =	simm.s32 $0x0;
	s20 =	sshll.u32 s5, $0x1;
	s5 =	sadd.s32 s21, s3  }
0xa3: {  	[timem:s7], [sflag:s22] =	dma.local [hbm:s5], s20  }
0xa4: {  	_ =	swait.ge [sflag:s22], s20  }
0xa5: {  	s4 =	ssub.s32 $0x0, s20;
	[sflag:s22] =	ssyncset.done $0x0  }
0xa6: {  	[sflag:s22] =	ssyncadd.s32 s4;
	_ =	sdelay $0x1  }
0xa7: {  	s23 =	simm.s32 $0x1B8B  }
0xa8: {  	_ =	swait.ge [sflag:s23], $0x1  }
0xa9: {  	[sflag:s23] =	ssyncset.done $0x0  }
0xaa: {  	s25 =	simm.s32 $0x1B8E;
	s24 =	sld [smem:$0x3FFE];
	[sflag:s23] =	ssyncadd.s32 $0xFFFFFFFF  }
0xab: {  	s26 =	simm.s32 $execute0_lowered;
	[smem:$0x3FD2] =	sst s25  }
0xac: {  	s5 =	sshll.u32 s26, $0x1;
	_ =	strace $0x80000059;
	[dreg:$0x1] =	wrdreg $0xFFFFFFFF  }
0xad: {  	s28 =	simm.s32 $_size_execute0_lowered;
	s3 =	sadd.s32 s3, s5;
	[dreg:$0x0] =	wrdreg $0x0  }
0xae: {  	s5 =	sshll.u32 s28, $0x1;
	[dreg:$0x2] =	wrdreg s3  }
0xaf: {  	[dreg:$0x3] =	wrdreg s5  }
0xb0: {  	[dreg:$0x4] =	wrdreg $0xC0  }
0xb1: {  	_ =	task [dreg:s7], $0x5FFFF  }
0xb2: {  	[dreg:$0x1] =	wrdreg $0xFFFFFFFF  }
0xb3: {  	[dreg:$0x0] =	wrdreg $0x60  }
0xb4: {  	[dreg:$0x2] =	wrdreg s24  }
0xb5: {  	[dreg:$0x3] =	wrdreg s16  }
0xb6: {  	[dreg:$0x4] =	wrdreg $0x9  }
0xb7: {  	_ =	task.clear_ibuf [dreg:s7], $0x5FFFF;
	_ =	strace $0x90000059  }
0xb8: {  	s29 =	simm.s32 $0x9;
	_ =	strace $0x80000062  }
0xb9: {  	_ =	swait.ge [sflag:s29], $0x1  }
0xba: {  	[sflag:s29] =	ssyncadd.s32 $0xFFFFFFFF  }
0xbb: {  	_ =	strace $0x90000062  }
0xbc: {  	_ =	sfence  }
0xbd: {  	s30 =	sld [smem:$0x0];
	_ =	sdelay $0x2  }
0xbe: {  	s31 =	sshll.u32 s1, $0xD;
	s1 =	sshrl.u32 s1, $0x2  }
0xbf: {  	s3 =	sand.u32 $0x4000, s31;
	s1 =	sadd.s32 s1, s30  }
0xc0: {  	s0 =	sor.u32 s3, s0;
	s1 =	sshll.u32 s1, $0x11  }
0xc1: {  	s0 =	sor.u32 s1, s0  }
0xc2: {  	s0 =	sadd.s32 $0x8F2B, s0  }
0xc3: {  	[sflag:s0] =	ssyncadd.remote.s32 $0x1  }
0xc4: {  	_ =	sfence.sel $0xFFFF  }
0xc5: {  	[dreg:$0x0] =	wrdreg $0xFFFFFFFF;
	(pc) =	sbr.abs _section_cstart, $3  }
0xc6: {  	[dreg:$0x1] =	wrdreg $0xFFFFFFFF  }
0xc7: {  	_ =	task.clear_ibuf [dreg:s7], $0x2FFFF;
	_ =	strace $0x9FFFFFFF  }
0xc8: {  	(tm) =	ssettm $0x7FFFFFFF  }
0xc9: {  	_ =	shalt  }
tec
execute0_lowered:
.L_overlay_start_1:
0x0: {  	(tag) =	ssettag $0x1  }
0x1: {  	s4 =	rddreg [dreg:$0x0]  }
0x2: {  	s0 =	rddreg [dreg:$0x1]  }
0x3: {  	[dreg:$0x3] =	wrdreg s0  }
0x4: {  	s1 =	simm.s32 $0x0;
	s2 =	srdreg.scid;
	s0 =	rddreg [dreg:$0x2]  }
0x5: {  	s9 =	simm.s32 $0x4;
	s10 =	simm.s32 $0x0;
	[smem:$0x7FF] =	sst s1  }
0x6: {  	s3 =	sand.u32 $0x1, s2;
	s2 =	stileid.u32;
	_ =	strace $0x8000005A  }
0x7: {  	s5 =	ssub.s32 $0x2, s3;
	s6 =	sshll.u32 s3, $0x4;
	s3 =	sadd.s32 $0xE2A00, s4  }
0x8: {  	v2 =	vlaneseq.u32;
	s4 =	sadd.s32 $0x20400, s4;
	s7 =	sshrl.u32 s5, $0x1;
	s6 =	sor.u32 s2, s6  }
0x9: {  	vm0 =	vmmov $0xffff;
	v1 =	vshrl.u32 v2, $0x3;
	s7 =	ssub.s32 s5, s7;
	s8 =	sshll.u32 s6, $0x6;
	s5 =	sshll.u32 s6, $0x2  }
0xa: {  	v0 =	vand.u32 $0x7, v2;
	v2 =	vor.u32 $0x8, v2;
	v1 =	vmul.u32 $0x8, v1;
	s6 =	sadd.s32 s4, s8;
	s7 =	smax.u32 s7, $0x1;
	s8 =	simm.s32 $0x5  }
.LBB2_1:
0xb: {  	_ =	strace $0x8000005B;
	s11 =	simm.s32 $0x4  }
0xc: {  	s12 =	simm.s32 $0x0;
	s13 =	simm.s32 $0x0;
	s14 =	simm.s32 $0x0  }
0xd: {  	[tilespmem:s1], [sflag:$0x1] =	stream.linear.gather [hbm4b:s6+s1], $0x80, $0x200038;
	[tilespmem:$0x10100] =	vst v63  }
0xe: {  	s15 =	simm.s32 $0x0;
	s16 =	simm.s32 $0x1;
	_ =	strace $0x9000005B  }
.LBB2_2:
0xf: {  	s17 =	smov.u32 s12;
	s12 =	sadd.s32 $0x1, s12  }
0x10: {  	p0 =	seq.s32 s12, $0x4  }
0x11: {  	s12 =	simm.s32 @p0 $0x0  }
0x12: {  	p6 =	sne.s32 s11, $0x1;
	p1 =	sne.s32 s17, s12  }
0x13: {  	p0 =	por !p6, !p1  }
0x14: {  	p0 =	por !p0, !p0  }
0x15: {  	s18 =	sadd.s32 @p0 s5, s12  }
0x16: {  	s19 =	sand.u32 @p0 $0x1, s16;
	s18 =	sshll.u32 @p0 s18, $0x4  }
0x17: {  	_ =	strace @p0 $0x8000005C;
	s21 =	simm.s32 @p0 $0x0;
	s18 =	sand.u32 @p0 $0x1FFFFFF0, s18  }
0x18: {  	s20 =	sshll.u32 @p0 s19, $0x7;
	s19 =	sadd.s32 @p0 $0x1, s19;
	s18 =	sadd.s32 @p0 s4, s18  }
0x19: {  	[tilespmem:s20], [sflag:s19] =	stream.linear.gather @p0 [hbm4b:s18+s21], $0x80, $0x200038;
	[tilespmem:$0x10100] =	vst v63  }
0x1a: {  	s24 =	sand.u32 $0x1, s15;
	_ =	strace @p0 $0x9000005C  }
0x1b: {  	s18 =	sadd.s32 $0x1, s24;
	_ =	strace $0x8000005D  }
0x1c: {  	_ =	swait.ge [sflag:s18], $0x80  }
0x1d: {  	[sflag:s18] =	ssyncset.done $0x0  }
0x1e: {  	[sflag:s18] =	ssyncadd.s32 $0xFFFFFF80  }
0x1f: {  	s25 =	sshll.u32 s15, $0x7;
	_ =	strace $0x9000005D  }
0x20: {  	s21 =	sand.u32 $0x80, s25;
	_ =	strace $0x8000005E  }
0x21: {  	v3 =	vld [tilespmem:s21+$0x0];
	_ =	sdelay $0x4  }
0x22: {  	v4 =	vshll.u32 v3, $0x1  }
0x23: {  	v3 =	vand.u32 $0x7, v3;
	v4 =	vand.u32 $0xFFFFFFF0, v4  }
0x24: {  	v3 =	vor.u32 v3, v4  }
0x25: {  	v4 =	vperm.xlane v3, v0;
	_ =	sdelay $0x1  }
0x26: {  	v3 =	vperm.xlane v3, v2;
	v4 =	vadd.s32 v1, v4;
	_ =	sdelay $0x1  }
0x27: {  	s18 =	sand.u32 $0x1, s14;
	v3 =	vadd.s32 v1, v3  }
0x28: {  	s20 =	sshll.u32 s18, $0xF  }
0x29: {  	s19 =	sor.u32 $0x100, s20  }
0x2a: {  	[tilespmem:s19], [sflag:$0x5] =	stream.indirect_vreg.gather [hbm4b:s3+s1], $0x80, v4, vm0, $0x2000b8;
	[tilespmem:$0x10100] =	vst v63  }
0x2b: {  	s22 =	sor.u32 $0x900, s20  }
0x2c: {  	[tilespmem:s22], [sflag:$0x5] =	stream.indirect_vreg.gather [hbm4b:s3+s1], $0x80, v3, vm0, $0x2000b8;
	[tilespmem:$0x10100] =	vst v63  }
0x2d: {  	v3 =	vld [tilespmem:s21+$0x10];
	_ =	sdelay $0x4  }
0x2e: {  	v57 =	vshll.u32 v3, $0x1  }
0x2f: {  	v3 =	vand.u32 $0x7, v3;
	v4 =	vand.u32 $0xFFFFFFF0, v57  }
0x30: {  	v3 =	vor.u32 v3, v4  }
0x31: {  	v4 =	vperm.xlane v3, v0;
	_ =	sdelay $0x1  }
0x32: {  	v3 =	vperm.xlane v3, v2;
	v4 =	vadd.s32 v1, v4;
	_ =	sdelay $0x1  }
0x33: {  	v3 =	vadd.s32 v1, v3;
	_ =	sdelay $0x1  }
0x34: {  	s26 =	sor.u32 $0x1100, s20  }
0x35: {  	[tilespmem:s26], [sflag:$0x5] =	stream.indirect_vreg.gather [hbm4b:s3+s1], $0x80, v4, vm0, $0x2000b8;
	[tilespmem:$0x10100] =	vst v63  }
0x36: {  	s28 =	sor.u32 $0x1900, s20  }
0x37: {  	[tilespmem:s28], [sflag:$0x5] =	stream.indirect_vreg.gather [hbm4b:s3+s1], $0x80, v3, vm0, $0x2000b8;
	[tilespmem:$0x10100] =	vst v63  }
0x38: {  	v3 =	vld [tilespmem:s21+$0x20];
	_ =	sdelay $0x4  }
0x39: {  	v58 =	vshll.u32 v3, $0x1  }
0x3a: {  	v3 =	vand.u32 $0x7, v3;
	v4 =	vand.u32 $0xFFFFFFF0, v58  }
0x3b: {  	v3 =	vor.u32 v3, v4  }
0x3c: {  	v4 =	vperm.xlane v3, v0;
	_ =	sdelay $0x1  }
0x3d: {  	v3 =	vperm.xlane v3, v2;
	v4 =	vadd.s32 v1, v4;
	_ =	sdelay $0x1  }
0x3e: {  	v3 =	vadd.s32 v1, v3;
	_ =	sdelay $0x1  }
0x3f: {  	s29 =	sor.u32 $0x2100, s20  }
0x40: {  	[tilespmem:s29], [sflag:$0x5] =	stream.indirect_vreg.gather [hbm4b:s3+s1], $0x80, v4, vm0, $0x2000b8;
	[tilespmem:$0x10100] =	vst v63  }
0x41: {  	s30 =	sor.u32 $0x2900, s20  }
0x42: {  	[tilespmem:s30], [sflag:$0x5] =	stream.indirect_vreg.gather [hbm4b:s3+s1], $0x80, v3, vm0, $0x2000b8;
	[tilespmem:$0x10100] =	vst v63  }
0x43: {  	v3 =	vld [tilespmem:s21+$0x30];
	_ =	sdelay $0x4  }
0x44: {  	v59 =	vshll.u32 v3, $0x1  }
0x45: {  	v3 =	vand.u32 $0x7, v3;
	v4 =	vand.u32 $0xFFFFFFF0, v59  }
0x46: {  	v3 =	vor.u32 v3, v4  }
0x47: {  	v4 =	vperm.xlane v3, v0;
	_ =	sdelay $0x1  }
0x48: {  	v3 =	vperm.xlane v3, v2;
	v4 =	vadd.s32 v1, v4;
	_ =	sdelay $0x1  }
0x49: {  	v3 =	vadd.s32 v1, v3;
	_ =	sdelay $0x1  }
0x4a: {  	s31 =	sor.u32 $0x3100, s20  }
0x4b: {  	[tilespmem:s31], [sflag:$0x5] =	stream.indirect_vreg.gather [hbm4b:s3+s1], $0x80, v4, vm0, $0x2000b8;
	[tilespmem:$0x10100] =	vst v63  }
0x4c: {  	s23 =	sor.u32 $0x3900, s20  }
0x4d: {  	[tilespmem:s23], [sflag:$0x5] =	stream.indirect_vreg.gather [hbm4b:s3+s1], $0x80, v3, vm0, $0x2000b8;
	[tilespmem:$0x10100] =	vst v63  }
0x4e: {  	v3 =	vld [tilespmem:s21+$0x40];
	_ =	sdelay $0x4  }
0x4f: {  	v60 =	vshll.u32 v3, $0x1  }
0x50: {  	v3 =	vand.u32 $0x7, v3;
	v4 =	vand.u32 $0xFFFFFFF0, v60  }
0x51: {  	v3 =	vor.u32 v3, v4  }
0x52: {  	v4 =	vperm.xlane v3, v0;
	_ =	sdelay $0x1  }
0x53: {  	v3 =	vperm.xlane v3, v2;
	v4 =	vadd.s32 v1, v4;
	_ =	sdelay $0x1  }
0x54: {  	v3 =	vadd.s32 v1, v3;
	_ =	sdelay $0x1  }
0x55: {  	s24 =	sor.u32 $0x4100, s20  }
0x56: {  	[tilespmem:s24], [sflag:$0x5] =	stream.indirect_vreg.gather [hbm4b:s3+s1], $0x80, v4, vm0, $0x2000b8;
	[tilespmem:$0x10100] =	vst v63  }
0x57: {  	s25 =	sor.u32 $0x4900, s20  }
0x58: {  	[tilespmem:s25], [sflag:$0x5] =	stream.indirect_vreg.gather [hbm4b:s3+s1], $0x80, v3, vm0, $0x2000b8;
	[tilespmem:$0x10100] =	vst v63  }
0x59: {  	v3 =	vld [tilespmem:s21+$0x50];
	_ =	sdelay $0x4  }
0x5a: {  	v61 =	vshll.u32 v3, $0x1  }
0x5b: {  	v3 =	vand.u32 $0x7, v3;
	v4 =	vand.u32 $0xFFFFFFF0, v61  }
0x5c: {  	v3 =	vor.u32 v3, v4  }
0x5d: {  	v4 =	vperm.xlane v3, v0;
	_ =	sdelay $0x1  }
0x5e: {  	v3 =	vperm.xlane v3, v2;
	v4 =	vadd.s32 v1, v4;
	_ =	sdelay $0x1  }
0x5f: {  	v3 =	vadd.s32 v1, v3;
	_ =	sdelay $0x1  }
0x60: {  	s26 =	sor.u32 $0x5100, s20  }
0x61: {  	[tilespmem:s26], [sflag:$0x5] =	stream.indirect_vreg.gather [hbm4b:s3+s1], $0x80, v4, vm0, $0x2000b8;
	[tilespmem:$0x10100] =	vst v63  }
0x62: {  	s28 =	sor.u32 $0x5900, s20  }
0x63: {  	[tilespmem:s28], [sflag:$0x5] =	stream.indirect_vreg.gather [hbm4b:s3+s1], $0x80, v3, vm0, $0x2000b8;
	[tilespmem:$0x10100] =	vst v63  }
0x64: {  	v3 =	vld [tilespmem:s21+$0x60];
	_ =	sdelay $0x4  }
0x65: {  	v62 =	vshll.u32 v3, $0x1  }
0x66: {  	v3 =	vand.u32 $0x7, v3;
	v4 =	vand.u32 $0xFFFFFFF0, v62  }
0x67: {  	v3 =	vor.u32 v3, v4  }
0x68: {  	v4 =	vperm.xlane v3, v0;
	_ =	sdelay $0x1  }
0x69: {  	v3 =	vperm.xlane v3, v2;
	v4 =	vadd.s32 v1, v4;
	_ =	sdelay $0x1  }
0x6a: {  	v3 =	vadd.s32 v1, v3;
	_ =	sdelay $0x1  }
0x6b: {  	s29 =	sor.u32 $0x6100, s20  }
0x6c: {  	[tilespmem:s29], [sflag:$0x5] =	stream.indirect_vreg.gather [hbm4b:s3+s1], $0x80, v4, vm0, $0x2000b8;
	[tilespmem:$0x10100] =	vst v63  }
0x6d: {  	s30 =	sor.u32 $0x6900, s20  }
0x6e: {  	[tilespmem:s30], [sflag:$0x5] =	stream.indirect_vreg.gather [hbm4b:s3+s1], $0x80, v3, vm0, $0x2000b8;
	[tilespmem:$0x10100] =	vst v63  }
0x6f: {  	v3 =	vld [tilespmem:s21+$0x70];
	_ =	sdelay $0x4  }
0x70: {  	v63 =	vshll.u32 v3, $0x1  }
0x71: {  	v3 =	vand.u32 $0x7, v3;
	v4 =	vand.u32 $0xFFFFFFF0, v63  }
0x72: {  	v3 =	vor.u32 v3, v4  }
0x73: {  	v4 =	vperm.xlane v3, v0;
	_ =	sdelay $0x1  }
0x74: {  	v3 =	vperm.xlane v3, v2;
	v4 =	vadd.s32 v1, v4;
	_ =	sdelay $0x1  }
0x75: {  	v3 =	vadd.s32 v1, v3;
	_ =	sdelay $0x1  }
0x76: {  	s31 =	sor.u32 $0x7100, s20  }
0x77: {  	[tilespmem:s31], [sflag:$0x5] =	stream.indirect_vreg.gather [hbm4b:s3+s1], $0x80, v4, vm0, $0x2000b8;
	[tilespmem:$0x10100] =	vst v63  }
0x78: {  	s20 =	sor.u32 $0x7900, s20  }
0x79: {  	[tilespmem:s20], [sflag:$0x5] =	stream.indirect_vreg.gather [hbm4b:s3+s1], $0x80, v3, vm0, $0x2000b8;
	[tilespmem:$0x10100] =	vst v63  }
0x7a: {  	_ =	swait.ge [sflag:s8], $0x8000  }
0x7b: {  	p2 =	seq.s32 s11, $0x1;
	[sflag:s8] =	ssyncset.done $0x0  }
0x7c: {  	s17 =	sadd.s32 s5, s17;
	p1 =	por p2, p1;
	[sflag:s8] =	ssyncadd.s32 $0xFFFF8000  }
0x7d: {  	s17 =	sshll.u32 @p1 s17, $0xC;
	_ =	strace $0x9000005E  }
0x7e: {  	s17 =	sand.u32 @p1 $0x1FFFF000, s17;
	s21 =	simm.s32 $0x1;
	_ =	strace @p1 $0x8000005F  }
0x7f: {  	s18 =	sadd.s32 @p1 $0x3, s18;
	s21 =	simm.s32 @!p0 $0x0;
	s20 =	rddreg [dreg:$0x3]  }
0x80: {  	p0 =	seq.s32 s11, $0x4;
	s17 =	sadd.s32 @p1 s20, s17;
	s20 =	simm.s32 @p1 $0x0  }
0x81: {  	[hbm4b:s17+s20] =	stream.linear.scatter @p1 [tilespmem:s19], [sflag:s18], $0x8000, $0x200038;
	[tilespmem:$0x10100] =	vst v63  }
0x82: {  	s17 =	simm.s32 $0x1;
	s19 =	simm.s32 $0x1;
	_ =	strace @p1 $0x9000005F  }
0x83: {  	s17 =	simm.s32 @!p1 $0x0;
	p1 =	sne.s32 s11, $0x4;
	s11 =	sadd.s32 $0xFFFFFFFF, s11  }
0x84: {  	s18 =	sand.u32 @!p0 $0x1, s13;
	s19 =	simm.s32 @!p1 $0x0;
	p1 =	sne.s32 s11, $0x0  }
.Ltmp0:
0x85: {  	s18 =	sadd.s32 @!p0 $0x3, s18;
	_ =	strace @!p0 $0x80000060;
	(pc) =	sbr.rel @p1 .LBB2_2-.Ltmp0, $4  }
0x86: {  	_ =	swait.ge @!p0 [sflag:s18], $0x8000  }
0x87: {  	[sflag:s18] =	ssyncset.done @!p0 $0x0  }
0x88: {  	s16 =	sadd.s32 s21, s16;
	s14 =	sadd.s32 s17, s14;
	[sflag:s18] =	ssyncadd.s32 @!p0 $0xFFFF8000  }
0x89: {  	s15 =	sadd.s32 s17, s15;
	s13 =	sadd.s32 s19, s13;
	_ =	strace @!p0 $0x90000060  }
0x8a: {  	s10 =	sadd.s32 $0x1, s10  }
0x8b: {  	p0 =	sne.s32 s10, s7  }
.Ltmp1:
0x8c: {  	_ =	strace $0x80000061;
	(pc) =	sbr.rel @p0 .LBB2_1-.Ltmp1, $4  }
0x8d: {  	_ =	swait.ge [sflag:s9], $0x8000  }
0x8e: {  	[sflag:s9] =	ssyncset.done $0x0  }
0x8f: {  	[sflag:s9] =	ssyncadd.s32 $0xFFFF8000  }
0x90: {  	_ =	strace $0x90000061  }
0x91: {  	_ =	sfence.sel $0x180000  }
0x92: {  	[bflag:$0x0] =	sbarrier.arrive $0xFFFF  }
0x93: {  	p0 =	sne.s32 s2, $0x0;
	_ =	strace $0x9000005A  }
0x94: {  	s0 =	sadd.s32 @!p0 $0x100000, s0;
	[bflag:$0x2] =	sbarrier.arrive $0xFFFF  }
0x95: {  	[sflag:s0] =	ssyncadd.tile.s32 @!p0 $0x1;
	_ =	shalt  }
.Lfunc_end2:
_tile_overlayer_lowered:
.L_overlay_start_2:
0x96: {  	(tag) =	ssettag $0x2  }
0x97: {  	s0 =	rddreg [dreg:$0x0];
	s2 =	stileid.u32  }
0x98: {  	s1 =	rddreg [dreg:$0x1];
	p0 =	sne.s32 s2, $0x0  }
0x99: {  	s3 =	rddreg [dreg:$0x2];
	[bflag:$0x3] =	sbarrier.arrive $0xFFFF;
	s2 =	simm.s32 @!p0 $0x1C01  }
0x9a: {  	[timem:s3], [sflag:s2] =	dma.local @!p0 [hbm:s0], s1  }
0x9b: {  	s0 =	simm.s32 @!p0 $0x1  }
0x9c: {  	_ =	swait.ge @!p0 [sflag:s0], s1  }
0x9d: {  	s1 =	ssub.s32 @!p0 $0x0, s1;
	[sflag:s0] =	ssyncset.done @!p0 $0x0  }
0x9e: {  	[sflag:s0] =	ssyncadd.s32 @!p0 s1  }
0x9f: {  	[bflag:$0x3] =	sbarrier.arrive $0xFFFF  }
0xa0: {  	_ =	shalt  }

// kernel: kernel.7.cloned.1.call-start
scs
__scs_entry_jumppad:
0x0: {  	(pc) =	sbr.rel $0x88, $3  }
0x1: {  	(tag) =	ssettag $0x0;
	lr =	simm.s32 $0x1  }
0x2: {  	[smem:$0x3F95] =	sst lr;
	_ =	strace $0xD0000000  }
0x3: {  	_ = 	snop  }
0x4: {  	_ = 	snop  }
0x5: {  	_ = 	snop  }
0x6: {  	_ = 	snop  }
0x7: {  	_ = 	snop  }
__scs_overlays_trampoline_lowered:
0x8: {  	[smem:$0x3FA4] =	sst s0  }
0x9: {  	[smem:$0x3FA5] =	sst s1  }
0xa: {  	[smem:$0x3FA6] =	sst s2  }
0xb: {  	[smem:$0x3FA7] =	sst s3  }
0xc: {  	[smem:$0x3FA8] =	sst s4  }
0xd: {  	[smem:$0x3FA9] =	sst s5  }
0xe: {  	[smem:$0x3FAA] =	sst s6  }
0xf: {  	[smem:$0x3FAB] =	sst s7  }
0x10: {  	[smem:$0x3FAC] =	sst s8  }
0x11: {  	[smem:$0x3FAD] =	sst s9;
	s0 =	simm.s32 @!p0 $0x0  }
0x12: {  	s1 =	sld [smem:$0x3F93];
	s0 =	simm.s32 @p0 $0x1  }
0x13: {  	[smem:$0x3FAE] =	sst s0;
	s0 =	simm.s32 @!p1 $0x0  }
0x14: {  	s2 =	sld [smem:$0x3F92];
	s0 =	simm.s32 @p1 $0x1  }
0x15: {  	[smem:$0x3FAF] =	sst s0;
	s0 =	simm.s32 @!p2 $0x0  }
0x16: {  	s3 =	sld [smem:$0x3FDB];
	s0 =	simm.s32 @p2 $0x1  }
0x17: {  	s4 =	simm.s32 $0x1BF5;
	[smem:$0x3FB1] =	sst s0  }
0x18: {  	s0 =	sld [smem:$0x3F94];
	_ =	swait.ge [sflag:s4], $0x0  }
0x19: {  	s7 =	sld [smem:$0x3F95]  }
0x1a: {  	s8 =	sadd.s32 $0xFFFFE003, lr  }
0x1b: {  	s9 =	sadd.s32 $0xFFFFFEF7, lr;
	s5 =	simm.s32 $0xFFFFFFFF;
	p2 =	slt.u32 s8, $0xFFFFF086  }
0x1c: {  	p1 =	slt.u32 s9, $0xF7A;
	s5 =	simm.s32 @!p2 $0x0  }
0x1d: {  	s5 =	simm.s32 @p1 $0x1;
	p0 =	seq.s32 s7, s2  }
0x1e: {  	s7 =	smul.u32 @!p0 $0xF7A, s2;
	p2 =	seq.s32 @!p0 s5, $0x0  }
0x1f: {  	s9 =	smul.u32 $0xF7A, s1;
	s8 =	simm.s32 @!p0 $0x1BF5;
	p2 =	por !p2, p0  }
0x20: {  	[sflag:s8] =	ssyncset.s32 @!p0 $0xFFFFF086;
	s6 =	sadd.s32 @!p0 s3, s7;
	s7 =	simm.s32 @!p0 $0x108  }
0x21: {  	s3 =	sadd.s32 s3, s9;
	s6 =	sadd.s32 @!p0 $0x88, s6;
	s7 =	simm.s32 @p2 $0x1082  }
0x22: {  	[simem:s7], [sflag:s8] =	dma.local @!p0 [hbm:s6], $0xF7A  }
0x23: {  	s9 =	sor.u32 $0xD0000000, s2;
	s6 =	simm.s32 $0x108;
	_ =	swait.ge @!p0 [sflag:s8], $0x0  }
0x24: {  	s3 =	sadd.s32 $0x88, s3;
	s6 =	simm.s32 @!p1 $0x1082;
	[sflag:s4] =	ssyncset.s32 $0xFFFFF086  }
0x25: {  	[simem:s6], [sflag:s4] =	dma.local [hbm:s3], $0xF7A  }
0x26: {  	[smem:$0x3F95] =	sst s1;
	(tag) =	ssettag s2;
	_ =	strace s9  }
0x27: {  	s1 =	sld [smem:$0x3FA5]  }
0x28: {  	s2 =	sld [smem:$0x3FA6]  }
0x29: {  	s4 =	sld [smem:$0x3FA8]  }
0x2a: {  	p0 =	seq.s32 s5, $0x0;
	s5 =	sld [smem:$0x3FA9]  }
0x2b: {  	s6 =	sld [smem:$0x3FAA]  }
0x2c: {  	s7 =	sld [smem:$0x3FAB]  }
0x2d: {  	s3 =	simm.s32 $0x108;
	s8 =	sld [smem:$0x3FAC]  }
0x2e: {  	s3 =	simm.s32 @!p0 $0x1082;
	s9 =	sld [smem:$0x3FAD]  }
0x2f: {  	lr =	sadd.s32 s0, s3;
	s0 =	sld [smem:$0x3FA4]  }
0x30: {  	s3 =	sld [smem:$0x3FA7]  }
0x31: {  	[smem:$0x3FB0] =	sst s10  }
0x32: {  	s10 =	sld [smem:$0x3FAE];
	_ =	sdelay $0x3  }
0x33: {  	p0 =	seq.s32 s10, $0x1;
	s10 =	sld [smem:$0x3FB0];
	_ =	sdelay $0x3  }
0x34: {  	[smem:$0x3FB0] =	sst s10  }
0x35: {  	s10 =	sld [smem:$0x3FAF];
	_ =	sdelay $0x3  }
0x36: {  	p1 =	seq.s32 s10, $0x1;
	s10 =	sld [smem:$0x3FB0];
	_ =	sdelay $0x3  }
0x37: {  	[smem:$0x3FB0] =	sst s10  }
0x38: {  	s10 =	sld [smem:$0x3FB1]  }
0x39: {  	_ = 	snop;
	(pc) =	sbr.ind lr, $3  }
0x3a: {  	_ = 	snop  }
0x3b: {  	_ = 	snop  }
0x3c: {  	p2 =	seq.s32 s10, $0x1;
	s10 =	sld [smem:$0x3FB0]  }
0x3d: {  	_ =	shalt  }
0x3e: {  	_ =	shalt  }
0x3f: {  	_ =	shalt  }
0x40: {  	_ =	shalt  }
0x41: {  	_ =	shalt  }
0x42: {  	_ =	shalt  }
0x43: {  	_ =	shalt  }
0x44: {  	_ =	shalt  }
0x45: {  	_ =	shalt  }
0x46: {  	_ =	shalt  }
0x47: {  	_ =	shalt  }
0x48: {  	_ =	shalt  }
0x49: {  	_ =	shalt  }
0x4a: {  	_ =	shalt  }
0x4b: {  	_ =	shalt  }
0x4c: {  	_ =	shalt  }
0x4d: {  	_ =	shalt  }
0x4e: {  	_ =	shalt  }
0x4f: {  	_ =	shalt  }
0x50: {  	_ =	shalt  }
0x51: {  	_ =	shalt  }
0x52: {  	_ =	shalt  }
0x53: {  	_ =	shalt  }
0x54: {  	_ =	shalt  }
0x55: {  	_ =	shalt  }
0x56: {  	_ =	shalt  }
0x57: {  	_ =	shalt  }
0x58: {  	_ =	shalt  }
0x59: {  	_ =	shalt  }
0x5a: {  	_ =	shalt  }
0x5b: {  	_ =	shalt  }
0x5c: {  	_ =	shalt  }
0x5d: {  	_ =	shalt  }
0x5e: {  	_ =	shalt  }
0x5f: {  	_ =	shalt  }
0x60: {  	_ =	shalt  }
0x61: {  	_ =	shalt  }
0x62: {  	_ =	shalt  }
0x63: {  	_ =	shalt  }
0x64: {  	_ =	shalt  }
0x65: {  	_ =	shalt  }
0x66: {  	_ =	shalt  }
0x67: {  	_ =	shalt  }
0x68: {  	_ =	shalt  }
0x69: {  	_ =	shalt  }
0x6a: {  	_ =	shalt  }
0x6b: {  	_ =	shalt  }
0x6c: {  	_ =	shalt  }
0x6d: {  	_ =	shalt  }
0x6e: {  	_ =	shalt  }
0x6f: {  	_ =	shalt  }
0x70: {  	_ =	shalt  }
0x71: {  	_ =	shalt  }
0x72: {  	_ =	shalt  }
0x73: {  	_ =	shalt  }
0x74: {  	_ =	shalt  }
0x75: {  	_ =	shalt  }
0x76: {  	_ =	shalt  }
0x77: {  	_ =	shalt  }
0x78: {  	_ =	shalt  }
0x79: {  	_ =	shalt  }
0x7a: {  	_ =	shalt  }
0x7b: {  	_ =	shalt  }
0x7c: {  	_ =	shalt  }
0x7d: {  	_ =	shalt  }
0x7e: {  	_ =	shalt  }
0x7f: {  	_ =	shalt  }
0x80: {  	_ =	shalt  }
0x81: {  	_ =	shalt  }
0x82: {  	_ =	shalt  }
0x83: {  	_ =	shalt  }
0x84: {  	_ =	shalt  }
0x85: {  	_ =	shalt  }
0x86: {  	_ =	shalt  }
0x87: {  	_ =	shalt  }
.Lfunc_end0:
.L_simem_size_0:
called_computation.3_lowered:
.L_overlay_start_0:
0x88: {  	s2 =	sld [smem:$0x3FD9]  }
0x89: {  	s3 =	sld [smem:$0x3FFE];
	_ =	sdelay $0x1  }
0x8a: {  	s1 =	srdreg.scid  }
0x8b: {  	s0 =	sand.u32 $0x1, s1  }
0x8c: {  	s14 =	sshll.u32 s0, $0xA;
	s2 =	sadd.s32 s3, s2  }
0x8d: {  	s2 =	sadd.s32 s2, s14  }
0x8e: {  	[smem:$0x3FBC] =	sst s2  }
0x8f: {  	_ = 	snop  }
0x90: {  	s2 =	sld [smem:$0x3FD0];
	_ =	sdelay $0x2  }
0x91: {  	s15 =	simm.s32 $0xA;
	s4 =	simm.s32 $0x10  }
0x92: {  	[smem:s4], [sflag:s15] =	dma.local [hbm:s2], $0x1  }
0x93: {  	_ =	swait.eq [sflag:s15], $0x1  }
0x94: {  	[sflag:s15] =	ssyncset.done $0x0  }
0x95: {  	[sflag:s15] =	ssyncadd.s32 $0xFFFFFFFF  }
0x96: {  	s16 =	sld [smem:$0x10];
	(tm) =	ssettm $0x1  }
0x97: {  	s17 =	sld [smem:$0x3FFB];
	_ =	sdelay $0x3  }
0x98: {  	_ =	strace s17  }
0x99: {  	s3 =	sld [smem:$0x3FFC];
	_ =	sdelay $0x3  }
0x9a: {  	_ =	strace s3  }
0x9b: {  	s3 =	sld [smem:$0x3FFD];
	_ =	sdelay $0x3  }
0x9c: {  	_ =	strace s3  }
0x9d: {  	_ =	strace $0x8FFFFFFF  }
0x9e: {  	s18 =	sld [smem:$0x3FDB];
	_ =	sdelay $0x1  }
0x9f: {  	s19 =	simm.s32 $_scs_section_size  }
0xa0: {  	s5 =	simm.s32 $_size__tile_overlayer_lowered;
	s6 =	simm.s32 $_tile_overlayer_lowered  }
0xa1: {  	s22 =	simm.s32 $0x1BFF;
	s21 =	sshll.u32 s6, $0x1;
	s3 =	sadd.s32 s19, s18  }
0xa2: {  	s7 =	simm.s32 $0x0;
	s20 =	sshll.u32 s5, $0x1;
	s5 =	sadd.s32 s21, s3  }
0xa3: {  	[timem:s7], [sflag:s22] =	dma.local [hbm:s5], s20  }
0xa4: {  	_ =	swait.ge [sflag:s22], s20  }
0xa5: {  	s4 =	ssub.s32 $0x0, s20;
	[sflag:s22] =	ssyncset.done $0x0  }
0xa6: {  	[sflag:s22] =	ssyncadd.s32 s4;
	_ =	sdelay $0x1  }
0xa7: {  	s23 =	simm.s32 $0x1B8B  }
0xa8: {  	_ =	swait.ge [sflag:s23], $0x1  }
0xa9: {  	[sflag:s23] =	ssyncset.done $0x0  }
0xaa: {  	s25 =	simm.s32 $0x1B8E;
	s24 =	sld [smem:$0x3FFE];
	[sflag:s23] =	ssyncadd.s32 $0xFFFFFFFF  }
0xab: {  	s26 =	simm.s32 $execute0_lowered;
	[smem:$0x3FD2] =	sst s25  }
0xac: {  	s5 =	sshll.u32 s26, $0x1;
	_ =	strace $0x80000049;
	[dreg:$0x1] =	wrdreg $0xFFFFFFFF  }
0xad: {  	s28 =	simm.s32 $_size_execute0_lowered;
	s3 =	sadd.s32 s3, s5;
	[dreg:$0x0] =	wrdreg $0x0  }
0xae: {  	s5 =	sshll.u32 s28, $0x1;
	[dreg:$0x2] =	wrdreg s3  }
0xaf: {  	[dreg:$0x3] =	wrdreg s5  }
0xb0: {  	[dreg:$0x4] =	wrdreg $0xC0  }
0xb1: {  	_ =	task [dreg:s7], $0x5FFFF  }
0xb2: {  	[dreg:$0x1] =	wrdreg $0xFFFFFFFF  }
0xb3: {  	[dreg:$0x0] =	wrdreg $0x60  }
0xb4: {  	[dreg:$0x2] =	wrdreg s16  }
0xb5: {  	[dreg:$0x3] =	wrdreg s24  }
0xb6: {  	[dreg:$0x4] =	wrdreg $0x9  }
0xb7: {  	_ =	task.clear_ibuf [dreg:s7], $0x5FFFF;
	_ =	strace $0x90000049  }
0xb8: {  	s29 =	simm.s32 $0x9;
	_ =	strace $0x80000052  }
0xb9: {  	_ =	swait.ge [sflag:s29], $0x1  }
0xba: {  	[sflag:s29] =	ssyncadd.s32 $0xFFFFFFFF  }
0xbb: {  	_ =	strace $0x90000052  }
0xbc: {  	_ =	sfence  }
0xbd: {  	s30 =	sld [smem:$0x0];
	_ =	sdelay $0x2  }
0xbe: {  	s31 =	sshll.u32 s1, $0xD;
	s1 =	sshrl.u32 s1, $0x2  }
0xbf: {  	s3 =	sand.u32 $0x4000, s31;
	s1 =	sadd.s32 s1, s30  }
0xc0: {  	s0 =	sor.u32 s3, s0;
	s1 =	sshll.u32 s1, $0x11  }
0xc1: {  	s0 =	sor.u32 s1, s0  }
0xc2: {  	s0 =	sadd.s32 $0x8F2B, s0  }
0xc3: {  	[sflag:s0] =	ssyncadd.remote.s32 $0x1  }
0xc4: {  	_ =	sfence.sel $0xFFFF  }
0xc5: {  	[dreg:$0x0] =	wrdreg $0xFFFFFFFF;
	(pc) =	sbr.abs _section_cstart, $3  }
0xc6: {  	[dreg:$0x1] =	wrdreg $0xFFFFFFFF  }
0xc7: {  	_ =	task.clear_ibuf [dreg:s7], $0x2FFFF;
	_ =	strace $0x9FFFFFFF  }
0xc8: {  	(tm) =	ssettm $0x7FFFFFFF  }
0xc9: {  	_ =	shalt  }
tec
execute0_lowered:
.L_overlay_start_1:
0x0: {  	(tag) =	ssettag $0x1  }
0x1: {  	s1 =	rddreg [dreg:$0x0]  }
0x2: {  	s4 =	rddreg [dreg:$0x1];
	s2 =	srdreg.scid  }
0x3: {  	s0 =	rddreg [dreg:$0x2];
	s3 =	simm.s32 $0x0;
	s10 =	simm.s32 $0x0  }
0x4: {  	s5 =	sand.u32 $0x1, s2;
	[smem:$0x7FF] =	sst s3;
	s2 =	stileid.u32  }
0x5: {  	s7 =	sadd.s32 $0x22C00, s4;
	s4 =	sadd.s32 $0x20400, s4;
	s6 =	sshll.u32 s5, $0x4  }
0x6: {  	_ =	strace $0x8000004A;
	s5 =	ssub.s32 $0x2, s5;
	s6 =	sor.u32 s2, s6  }
0x7: {  	v2 =	vlaneseq.u32;
	[dreg:$0x3] =	wrdreg s7;
	s8 =	sshrl.u32 s5, $0x1;
	s9 =	smul.u32 $0x60, s6  }
0x8: {  	vm0 =	vmmov $0xffff;
	v1 =	vshrl.u32 v2, $0x3;
	s31 =	ssub.s32 s5, s8;
	s5 =	smul.u32 $0x6, s6;
	s8 =	simm.s32 $0x5  }
0x9: {  	v0 =	vand.u32 $0x7, v2;
	v2 =	vor.u32 $0x8, v2;
	v1 =	vmul.u32 $0x8, v1;
	s7 =	smax.u32 s31, $0x1;
	s6 =	sadd.s32 s4, s9;
	s9 =	simm.s32 $0x4  }
.LBB2_1:
0xa: {  	_ =	strace $0x8000004B;
	s11 =	simm.s32 $0x6  }
0xb: {  	s12 =	simm.s32 $0x0;
	s13 =	simm.s32 $0x0;
	s14 =	simm.s32 $0x0  }
0xc: {  	[tilespmem:s3], [sflag:$0x1] =	stream.linear.gather [hbm4b:s6+s3], $0x80, $0x200038;
	[tilespmem:$0x10100] =	vst v63  }
0xd: {  	s15 =	simm.s32 $0x0;
	s16 =	simm.s32 $0x1;
	_ =	strace $0x9000004B  }
.LBB2_2:
0xe: {  	s17 =	smov.u32 s12;
	s12 =	sadd.s32 $0x1, s12  }
0xf: {  	p0 =	seq.s32 s12, $0x6  }
0x10: {  	s12 =	simm.s32 @p0 $0x0  }
0x11: {  	p6 =	sne.s32 s11, $0x1;
	p1 =	sne.s32 s17, s12  }
0x12: {  	p0 =	por !p6, !p1  }
0x13: {  	p0 =	por !p0, !p0  }
0x14: {  	s18 =	sadd.s32 @p0 s5, s12  }
0x15: {  	s19 =	sand.u32 @p0 $0x1, s16;
	s18 =	sshll.u32 @p0 s18, $0x4  }
0x16: {  	_ =	strace @p0 $0x8000004C;
	s21 =	simm.s32 @p0 $0x0;
	s18 =	sand.u32 @p0 $0x1FFFFFF0, s18  }
0x17: {  	s20 =	sshll.u32 @p0 s19, $0x7;
	s19 =	sadd.s32 @p0 $0x1, s19;
	s18 =	sadd.s32 @p0 s4, s18  }
0x18: {  	[tilespmem:s20], [sflag:s19] =	stream.linear.gather @p0 [hbm4b:s18+s21], $0x80, $0x200038;
	[tilespmem:$0x10100] =	vst v63  }
0x19: {  	s24 =	sand.u32 $0x1, s15;
	_ =	strace @p0 $0x9000004C  }
0x1a: {  	s18 =	sadd.s32 $0x1, s24;
	_ =	strace $0x8000004D  }
0x1b: {  	_ =	swait.ge [sflag:s18], $0x80  }
0x1c: {  	[sflag:s18] =	ssyncset.done $0x0  }
0x1d: {  	[sflag:s18] =	ssyncadd.s32 $0xFFFFFF80  }
0x1e: {  	s25 =	sshll.u32 s15, $0x7;
	_ =	strace $0x9000004D  }
0x1f: {  	s21 =	sand.u32 $0x80, s25;
	_ =	strace $0x8000004E  }
0x20: {  	v3 =	vld [tilespmem:s21+$0x0];
	_ =	sdelay $0x4  }
0x21: {  	v4 =	vshll.u32 v3, $0x1  }
0x22: {  	v3 =	vand.u32 $0x7, v3;
	v4 =	vand.u32 $0xFFFFFFF0, v4  }
0x23: {  	v3 =	vor.u32 v3, v4  }
0x24: {  	v4 =	vperm.xlane v3, v0;
	_ =	sdelay $0x1  }
0x25: {  	v3 =	vperm.xlane v3, v2;
	v4 =	vadd.s32 v1, v4;
	_ =	sdelay $0x1  }
0x26: {  	s18 =	sand.u32 $0x1, s14;
	v3 =	vadd.s32 v1, v3  }
0x27: {  	s20 =	sshll.u32 s18, $0xF  }
0x28: {  	s19 =	sor.u32 $0x100, s20  }
0x29: {  	[tilespmem:s19], [sflag:$0x5] =	stream.indirect_vreg.gather [hbm4b:s1+s3], $0x80, v4, vm0, $0x2000b8;
	[tilespmem:$0x10100] =	vst v63  }
0x2a: {  	s22 =	sor.u32 $0x900, s20  }
0x2b: {  	[tilespmem:s22], [sflag:$0x5] =	stream.indirect_vreg.gather [hbm4b:s1+s3], $0x80, v3, vm0, $0x2000b8;
	[tilespmem:$0x10100] =	vst v63  }
0x2c: {  	v3 =	vld [tilespmem:s21+$0x10];
	_ =	sdelay $0x4  }
0x2d: {  	v57 =	vshll.u32 v3, $0x1  }
0x2e: {  	v3 =	vand.u32 $0x7, v3;
	v4 =	vand.u32 $0xFFFFFFF0, v57  }
0x2f: {  	v3 =	vor.u32 v3, v4  }
0x30: {  	v4 =	vperm.xlane v3, v0;
	_ =	sdelay $0x1  }
0x31: {  	v3 =	vperm.xlane v3, v2;
	v4 =	vadd.s32 v1, v4;
	_ =	sdelay $0x1  }
0x32: {  	v3 =	vadd.s32 v1, v3;
	_ =	sdelay $0x1  }
0x33: {  	s26 =	sor.u32 $0x1100, s20  }
0x34: {  	[tilespmem:s26], [sflag:$0x5] =	stream.indirect_vreg.gather [hbm4b:s1+s3], $0x80, v4, vm0, $0x2000b8;
	[tilespmem:$0x10100] =	vst v63  }
0x35: {  	s28 =	sor.u32 $0x1900, s20  }
0x36: {  	[tilespmem:s28], [sflag:$0x5] =	stream.indirect_vreg.gather [hbm4b:s1+s3], $0x80, v3, vm0, $0x2000b8;
	[tilespmem:$0x10100] =	vst v63  }
0x37: {  	v3 =	vld [tilespmem:s21+$0x20];
	_ =	sdelay $0x4  }
0x38: {  	v58 =	vshll.u32 v3, $0x1  }
0x39: {  	v3 =	vand.u32 $0x7, v3;
	v4 =	vand.u32 $0xFFFFFFF0, v58  }
0x3a: {  	v3 =	vor.u32 v3, v4  }
0x3b: {  	v4 =	vperm.xlane v3, v0;
	_ =	sdelay $0x1  }
0x3c: {  	v3 =	vperm.xlane v3, v2;
	v4 =	vadd.s32 v1, v4;
	_ =	sdelay $0x1  }
0x3d: {  	v3 =	vadd.s32 v1, v3;
	_ =	sdelay $0x1  }
0x3e: {  	s29 =	sor.u32 $0x2100, s20  }
0x3f: {  	[tilespmem:s29], [sflag:$0x5] =	stream.indirect_vreg.gather [hbm4b:s1+s3], $0x80, v4, vm0, $0x2000b8;
	[tilespmem:$0x10100] =	vst v63  }
0x40: {  	s30 =	sor.u32 $0x2900, s20  }
0x41: {  	[tilespmem:s30], [sflag:$0x5] =	stream.indirect_vreg.gather [hbm4b:s1+s3], $0x80, v3, vm0, $0x2000b8;
	[tilespmem:$0x10100] =	vst v63  }
0x42: {  	v3 =	vld [tilespmem:s21+$0x30];
	_ =	sdelay $0x4  }
0x43: {  	v59 =	vshll.u32 v3, $0x1  }
0x44: {  	v3 =	vand.u32 $0x7, v3;
	v4 =	vand.u32 $0xFFFFFFF0, v59  }
0x45: {  	v3 =	vor.u32 v3, v4  }
0x46: {  	v4 =	vperm.xlane v3, v0;
	_ =	sdelay $0x1  }
0x47: {  	v3 =	vperm.xlane v3, v2;
	v4 =	vadd.s32 v1, v4;
	_ =	sdelay $0x1  }
0x48: {  	v3 =	vadd.s32 v1, v3;
	_ =	sdelay $0x1  }
0x49: {  	s31 =	sor.u32 $0x3100, s20  }
0x4a: {  	[tilespmem:s31], [sflag:$0x5] =	stream.indirect_vreg.gather [hbm4b:s1+s3], $0x80, v4, vm0, $0x2000b8;
	[tilespmem:$0x10100] =	vst v63  }
0x4b: {  	s23 =	sor.u32 $0x3900, s20  }
0x4c: {  	[tilespmem:s23], [sflag:$0x5] =	stream.indirect_vreg.gather [hbm4b:s1+s3], $0x80, v3, vm0, $0x2000b8;
	[tilespmem:$0x10100] =	vst v63  }
0x4d: {  	v3 =	vld [tilespmem:s21+$0x40];
	_ =	sdelay $0x4  }
0x4e: {  	v60 =	vshll.u32 v3, $0x1  }
0x4f: {  	v3 =	vand.u32 $0x7, v3;
	v4 =	vand.u32 $0xFFFFFFF0, v60  }
0x50: {  	v3 =	vor.u32 v3, v4  }
0x51: {  	v4 =	vperm.xlane v3, v0;
	_ =	sdelay $0x1  }
0x52: {  	v3 =	vperm.xlane v3, v2;
	v4 =	vadd.s32 v1, v4;
	_ =	sdelay $0x1  }
0x53: {  	v3 =	vadd.s32 v1, v3;
	_ =	sdelay $0x1  }
0x54: {  	s24 =	sor.u32 $0x4100, s20  }
0x55: {  	[tilespmem:s24], [sflag:$0x5] =	stream.indirect_vreg.gather [hbm4b:s1+s3], $0x80, v4, vm0, $0x2000b8;
	[tilespmem:$0x10100] =	vst v63  }
0x56: {  	s25 =	sor.u32 $0x4900, s20  }
0x57: {  	[tilespmem:s25], [sflag:$0x5] =	stream.indirect_vreg.gather [hbm4b:s1+s3], $0x80, v3, vm0, $0x2000b8;
	[tilespmem:$0x10100] =	vst v63  }
0x58: {  	v3 =	vld [tilespmem:s21+$0x50];
	_ =	sdelay $0x4  }
0x59: {  	v61 =	vshll.u32 v3, $0x1  }
0x5a: {  	v3 =	vand.u32 $0x7, v3;
	v4 =	vand.u32 $0xFFFFFFF0, v61  }
0x5b: {  	v3 =	vor.u32 v3, v4  }
0x5c: {  	v4 =	vperm.xlane v3, v0;
	_ =	sdelay $0x1  }
0x5d: {  	v3 =	vperm.xlane v3, v2;
	v4 =	vadd.s32 v1, v4;
	_ =	sdelay $0x1  }
0x5e: {  	v3 =	vadd.s32 v1, v3;
	_ =	sdelay $0x1  }
0x5f: {  	s26 =	sor.u32 $0x5100, s20  }
0x60: {  	[tilespmem:s26], [sflag:$0x5] =	stream.indirect_vreg.gather [hbm4b:s1+s3], $0x80, v4, vm0, $0x2000b8;
	[tilespmem:$0x10100] =	vst v63  }
0x61: {  	s28 =	sor.u32 $0x5900, s20  }
0x62: {  	[tilespmem:s28], [sflag:$0x5] =	stream.indirect_vreg.gather [hbm4b:s1+s3], $0x80, v3, vm0, $0x2000b8;
	[tilespmem:$0x10100] =	vst v63  }
0x63: {  	v3 =	vld [tilespmem:s21+$0x60];
	_ =	sdelay $0x4  }
0x64: {  	v62 =	vshll.u32 v3, $0x1  }
0x65: {  	v3 =	vand.u32 $0x7, v3;
	v4 =	vand.u32 $0xFFFFFFF0, v62  }
0x66: {  	v3 =	vor.u32 v3, v4  }
0x67: {  	v4 =	vperm.xlane v3, v0;
	_ =	sdelay $0x1  }
0x68: {  	v3 =	vperm.xlane v3, v2;
	v4 =	vadd.s32 v1, v4;
	_ =	sdelay $0x1  }
0x69: {  	v3 =	vadd.s32 v1, v3;
	_ =	sdelay $0x1  }
0x6a: {  	s29 =	sor.u32 $0x6100, s20  }
0x6b: {  	[tilespmem:s29], [sflag:$0x5] =	stream.indirect_vreg.gather [hbm4b:s1+s3], $0x80, v4, vm0, $0x2000b8;
	[tilespmem:$0x10100] =	vst v63  }
0x6c: {  	s30 =	sor.u32 $0x6900, s20  }
0x6d: {  	[tilespmem:s30], [sflag:$0x5] =	stream.indirect_vreg.gather [hbm4b:s1+s3], $0x80, v3, vm0, $0x2000b8;
	[tilespmem:$0x10100] =	vst v63  }
0x6e: {  	v3 =	vld [tilespmem:s21+$0x70];
	_ =	sdelay $0x4  }
0x6f: {  	v63 =	vshll.u32 v3, $0x1  }
0x70: {  	v3 =	vand.u32 $0x7, v3;
	v4 =	vand.u32 $0xFFFFFFF0, v63  }
0x71: {  	v3 =	vor.u32 v3, v4  }
0x72: {  	v4 =	vperm.xlane v3, v0;
	_ =	sdelay $0x1  }
0x73: {  	v3 =	vperm.xlane v3, v2;
	v4 =	vadd.s32 v1, v4;
	_ =	sdelay $0x1  }
0x74: {  	v3 =	vadd.s32 v1, v3;
	_ =	sdelay $0x1  }
0x75: {  	s31 =	sor.u32 $0x7100, s20  }
0x76: {  	[tilespmem:s31], [sflag:$0x5] =	stream.indirect_vreg.gather [hbm4b:s1+s3], $0x80, v4, vm0, $0x2000b8;
	[tilespmem:$0x10100] =	vst v63  }
0x77: {  	s20 =	sor.u32 $0x7900, s20  }
0x78: {  	[tilespmem:s20], [sflag:$0x5] =	stream.indirect_vreg.gather [hbm4b:s1+s3], $0x80, v3, vm0, $0x2000b8;
	[tilespmem:$0x10100] =	vst v63  }
0x79: {  	_ =	swait.ge [sflag:s8], $0x8000  }
0x7a: {  	p2 =	seq.s32 s11, $0x1;
	[sflag:s8] =	ssyncset.done $0x0  }
0x7b: {  	s17 =	sadd.s32 s5, s17;
	p1 =	por p2, p1;
	[sflag:s8] =	ssyncadd.s32 $0xFFFF8000  }
0x7c: {  	s17 =	sshll.u32 @p1 s17, $0xC;
	_ =	strace $0x9000004E  }
0x7d: {  	s17 =	sand.u32 @p1 $0x1FFFF000, s17;
	s21 =	simm.s32 $0x1;
	_ =	strace @p1 $0x8000004F  }
0x7e: {  	s18 =	sadd.s32 @p1 $0x3, s18;
	s21 =	simm.s32 @!p0 $0x0;
	s20 =	rddreg [dreg:$0x3]  }
0x7f: {  	p0 =	seq.s32 s11, $0x6;
	s17 =	sadd.s32 @p1 s20, s17;
	s20 =	simm.s32 @p1 $0x0  }
0x80: {  	[hbm4b:s17+s20] =	stream.linear.scatter @p1 [tilespmem:s19], [sflag:s18], $0x8000, $0x200038;
	[tilespmem:$0x10100] =	vst v63  }
0x81: {  	s17 =	simm.s32 $0x1;
	s19 =	simm.s32 $0x1;
	_ =	strace @p1 $0x9000004F  }
0x82: {  	s17 =	simm.s32 @!p1 $0x0;
	p1 =	sne.s32 s11, $0x6;
	s11 =	sadd.s32 $0xFFFFFFFF, s11  }
0x83: {  	s18 =	sand.u32 @!p0 $0x1, s13;
	s19 =	simm.s32 @!p1 $0x0;
	p1 =	sne.s32 s11, $0x0  }
.Ltmp0:
0x84: {  	s18 =	sadd.s32 @!p0 $0x3, s18;
	_ =	strace @!p0 $0x80000050;
	(pc) =	sbr.rel @p1 .LBB2_2-.Ltmp0, $4  }
0x85: {  	_ =	swait.ge @!p0 [sflag:s18], $0x8000  }
0x86: {  	[sflag:s18] =	ssyncset.done @!p0 $0x0  }
0x87: {  	s16 =	sadd.s32 s21, s16;
	s14 =	sadd.s32 s17, s14;
	[sflag:s18] =	ssyncadd.s32 @!p0 $0xFFFF8000  }
0x88: {  	s15 =	sadd.s32 s17, s15;
	s13 =	sadd.s32 s19, s13;
	_ =	strace @!p0 $0x90000050  }
0x89: {  	s10 =	sadd.s32 $0x1, s10  }
0x8a: {  	p0 =	sne.s32 s10, s7  }
.Ltmp1:
0x8b: {  	_ =	strace $0x80000051;
	(pc) =	sbr.rel @p0 .LBB2_1-.Ltmp1, $4  }
0x8c: {  	_ =	swait.ge [sflag:s9], $0x8000  }
0x8d: {  	[sflag:s9] =	ssyncset.done $0x0  }
0x8e: {  	[sflag:s9] =	ssyncadd.s32 $0xFFFF8000  }
0x8f: {  	_ =	strace $0x90000051  }
0x90: {  	_ =	sfence.sel $0x180000  }
0x91: {  	[bflag:$0x0] =	sbarrier.arrive $0xFFFF  }
0x92: {  	p0 =	sne.s32 s2, $0x0;
	_ =	strace $0x9000004A  }
0x93: {  	s0 =	sadd.s32 @!p0 $0x100000, s0;
	[bflag:$0x2] =	sbarrier.arrive $0xFFFF  }
0x94: {  	[sflag:s0] =	ssyncadd.tile.s32 @!p0 $0x1;
	_ =	shalt  }
.Lfunc_end2:
_tile_overlayer_lowered:
.L_overlay_start_2:
0x95: {  	(tag) =	ssettag $0x2  }
0x96: {  	s0 =	rddreg [dreg:$0x0];
	s2 =	stileid.u32  }
0x97: {  	s1 =	rddreg [dreg:$0x1];
	p0 =	sne.s32 s2, $0x0  }
0x98: {  	s3 =	rddreg [dreg:$0x2];
	[bflag:$0x3] =	sbarrier.arrive $0xFFFF;
	s2 =	simm.s32 @!p0 $0x1C01  }
0x99: {  	[timem:s3], [sflag:s2] =	dma.local @!p0 [hbm:s0], s1  }
0x9a: {  	s0 =	simm.s32 @!p0 $0x1  }
0x9b: {  	_ =	swait.ge @!p0 [sflag:s0], s1  }
0x9c: {  	s1 =	ssub.s32 @!p0 $0x0, s1;
	[sflag:s0] =	ssyncset.done @!p0 $0x0  }
0x9d: {  	[sflag:s0] =	ssyncadd.s32 @!p0 s1  }
0x9e: {  	[bflag:$0x3] =	sbarrier.arrive $0xFFFF  }
0x9f: {  	_ =	shalt  }

// kernel: sparse-core-data-format-call.1.cloned.1.call-start
scs
called_computation.1_lowered:
.L_overlay_start_0:
0x0: {  	s1 =	sld [smem:$0x3FD9]  }
0x1: {  	s2 =	sld [smem:$0x3FFE];
	_ =	sdelay $0x1  }
0x2: {  	s3 =	srdreg.scid  }
0x3: {  	s0 =	sand.u32 $0x1, s3  }
0x4: {  	s17 =	sshll.u32 s0, $0xA;
	s1 =	sadd.s32 s2, s1  }
0x5: {  	s1 =	sadd.s32 s1, s17  }
0x6: {  	[smem:$0x3FBC] =	sst s1  }
0x7: {  	_ = 	snop  }
0x8: {  	(tm) =	ssettm $0x1  }
0x9: {  	s18 =	sld [smem:$0x3FFB];
	_ =	sdelay $0x3  }
0xa: {  	_ =	strace s18  }
0xb: {  	s1 =	sld [smem:$0x3FFC];
	_ =	sdelay $0x3  }
0xc: {  	_ =	strace s1  }
0xd: {  	s1 =	sld [smem:$0x3FFD];
	_ =	sdelay $0x3  }
0xe: {  	_ =	strace s1  }
0xf: {  	_ =	strace $0x8FFFFFFF  }
0x10: {  	s19 =	sld [smem:$0x3FDB];
	_ =	sdelay $0x1  }
0x11: {  	s20 =	simm.s32 $_scs_section_size  }
0x12: {  	s4 =	simm.s32 $_size__tile_overlayer_lowered;
	s5 =	simm.s32 $_tile_overlayer_lowered  }
0x13: {  	s23 =	simm.s32 $0x1BFF;
	s22 =	sshll.u32 s5, $0x1;
	s1 =	sadd.s32 s20, s19  }
0x14: {  	s6 =	simm.s32 $0x0;
	s21 =	sshll.u32 s4, $0x1;
	s4 =	sadd.s32 s22, s1  }
0x15: {  	[timem:s6], [sflag:s23] =	dma.local [hbm:s4], s21  }
0x16: {  	_ =	swait.ge [sflag:s23], s21  }
0x17: {  	s2 =	ssub.s32 $0x0, s21;
	[sflag:s23] =	ssyncset.done $0x0  }
0x18: {  	[sflag:s23] =	ssyncadd.s32 s2;
	_ =	sdelay $0x1  }
0x19: {  	s24 =	simm.s32 $0x1B8B  }
0x1a: {  	_ =	swait.ge [sflag:s24], $0x1  }
0x1b: {  	[sflag:s24] =	ssyncset.done $0x0  }
0x1c: {  	s26 =	simm.s32 $0x1B8E;
	s25 =	sld [smem:$0x3FFE];
	[sflag:s24] =	ssyncadd.s32 $0xFFFFFFFF  }
0x1d: {  	s27 =	simm.s32 $execute0_lowered;
	[smem:$0x3FD2] =	sst s26  }
0x1e: {  	s4 =	sshll.u32 s27, $0x1;
	_ =	strace $0x80000053;
	[dreg:$0x1] =	wrdreg $0xFFFFFFFF  }
0x1f: {  	s28 =	simm.s32 $_size_execute0_lowered;
	s1 =	sadd.s32 s1, s4;
	[dreg:$0x0] =	wrdreg $0x0  }
0x20: {  	s4 =	sshll.u32 s28, $0x1;
	[dreg:$0x2] =	wrdreg s1  }
0x21: {  	[dreg:$0x3] =	wrdreg s4  }
0x22: {  	[dreg:$0x4] =	wrdreg $0xC0  }
0x23: {  	_ =	task [dreg:s6], $0x5FFFF  }
0x24: {  	[dreg:$0x1] =	wrdreg $0xFFFFFFFF  }
0x25: {  	[dreg:$0x0] =	wrdreg $0x60  }
0x26: {  	[dreg:$0x2] =	wrdreg s25  }
0x27: {  	[dreg:$0x3] =	wrdreg $0x9  }
0x28: {  	_ =	task.clear_ibuf [dreg:s6], $0x4FFFF;
	_ =	strace $0x90000053  }
0x29: {  	s29 =	simm.s32 $0x9;
	_ =	strace $0x80000055  }
0x2a: {  	_ =	swait.ge [sflag:s29], $0x1  }
0x2b: {  	[sflag:s29] =	ssyncadd.s32 $0xFFFFFFFF  }
0x2c: {  	_ =	strace $0x90000055  }
0x2d: {  	_ =	sfence  }
0x2e: {  	s30 =	sld [smem:$0x0];
	_ =	sdelay $0x2  }
0x2f: {  	s31 =	sshll.u32 s3, $0xD;
	s3 =	sshrl.u32 s3, $0x2  }
0x30: {  	s2 =	sand.u32 $0x4000, s31;
	s1 =	sadd.s32 s3, s30  }
0x31: {  	s0 =	sor.u32 s2, s0;
	s1 =	sshll.u32 s1, $0x11  }
0x32: {  	s0 =	sor.u32 s1, s0  }
0x33: {  	s0 =	sadd.s32 $0x8F2B, s0  }
0x34: {  	[sflag:s0] =	ssyncadd.remote.s32 $0x1  }
0x35: {  	_ =	sfence.sel $0xFFFF  }
0x36: {  	[dreg:$0x0] =	wrdreg $0xFFFFFFFF;
	(pc) =	sbr.abs _section_cstart, $3  }
0x37: {  	[dreg:$0x1] =	wrdreg $0xFFFFFFFF  }
0x38: {  	_ =	task.clear_ibuf [dreg:s6], $0x2FFFF;
	_ =	strace $0x9FFFFFFF  }
0x39: {  	(tm) =	ssettm $0x7FFFFFFF  }
tec
execute0_lowered:
.L_overlay_start_1:
0x0: {  	(tag) =	ssettag $0x1  }
0x1: {  	s0 =	stileid.u32;
	s1 =	srdreg.scid  }
0x2: {  	s7 =	rddreg [dreg:$0x0];
	s31 =	simm.s32 $0x2;
	s14 =	simm.s32 $0x0  }
0x3: {  	s13 =	simm.s32 $0x0;
	s12 =	simm.s32 $0x0;
	s2 =	sshll.u32 s0, $0x7  }
0x4: {  	s3 =	sshll.u32 s0, $0x4;
	s1 =	sshll.u32 s1, $0x8;
	s2 =	sand.u32 $0x380, s2  }
0x5: {  	s3 =	sor.u32 s3, s1;
	s1 =	rddreg [dreg:$0x1];
	_ =	strace $0x80000054  }
0x6: {  	s3 =	sand.u32 $0x180, s3;
	s4 =	ssub.s32 $0x400, s2;
	s11 =	smov.u32 s2  }
0x7: {  	s5 =	sand.u32 $0x380, s4;
	s6 =	ssub.s32 $0x3000, s3;
	s9 =	sshrl.u32 s4, $0xA  }
0x8: {  	p0 =	sne.s32 s5, $0x0;
	s5 =	simm.s32 $0x1;
	s8 =	sand.u32 $0x180, s6  }
0x9: {  	s5 =	simm.s32 @!p0 $0x0;
	p0 =	sne.s32 s8, $0x0;
	s8 =	simm.s32 $0x1  }
.Ltmp0:
0xa: {  	s6 =	sshrl.u32 s6, $0x9;
	s8 =	simm.s32 @!p0 $0x0;
	(pc) =	sbr.rel .LBB1_1-.Ltmp0, $4  }
0xb: {  	s4 =	simm.s32 $0x1;
	s5 =	sadd.s32 s5, s9;
	s6 =	sadd.s32 s8, s6  }
0xc: {  	s10 =	smov.u32 s3;
	[sflag:s4] =	ssyncpa.u1 $0x0;
	s5 =	smul.u32 s5, s6  }
0xd: {  	[sflag:s31] =	ssyncpa.u1 $0x0;
	p0 =	por $0x0, $0x0;
	s9 =	simm.s32 $0x2000  }
0xe: {  	s6 =	sadd.s32 $0x1A2C00, s7;
	s7 =	sadd.s32 $0x22C00, s7;
	s8 =	sadd.s32 $0x1, s5  }
.LBB1_4:
0xf: {  	v5 =	vld [tilespmem:s18+$0xFFFFFFD0];
	[tilespmem:s17+$0x2040 ss:$0x81] =	vst.msk $0xffff, v4;
	s20 =	sshll.u32 s14, $0xA;
	s21 =	sshll.u32 s13, $0x3  }
0x10: {  	v58 =	vld [tilespmem:s18+$0xFFFFFFE0];
	[tilespmem:s17+$0x2850 ss:$0x81] =	vst.msk $0xffff, v3;
	s20 =	sand.u32 $0xFFFFE000, s20;
	s21 =	sand.u32 $0xFFFFFC00, s21  }
0x11: {  	s19 =	sshra.s32 s19, $0x2;
	v59 =	vld [tilespmem:s18+$0xFFFFFFF0];
	[tilespmem:s17+$0x3060 ss:$0x81] =	vst.msk $0xffff, v2;
	s20 =	sadd.s32 s21, s20  }
0x12: {  	v60 =	vld [tilespmem:s18+$0x0];
	[tilespmem:s17+$0x0 ss:$0x81] =	vst.msk $0xffff, v0;
	s16 =	sadd.s32 s19, s16;
	s26 =	sshrl.u32 s20, $0xA  }
0x13: {  	v61 =	vld [tilespmem:s18+$0x10];
	[tilespmem:s16+$0x3870 ss:$0x81] =	vst.msk $0xffff, v1;
	s27 =	smulhi.u32 $0x2AAAAB, s26  }
0x14: {  	v62 =	vld [tilespmem:s18+$0x20];
	[tilespmem:s16+$0x810 ss:$0x81] =	vst.msk $0xffff, v5  }
0x15: {  	v63 =	vld [tilespmem:s18+$0xFFFFFFC0];
	s28 =	sshll.u32 s14, $0x7;
	[tilespmem:s16+$0x1020 ss:$0x81] =	vst.msk $0xffff, v58;
	s29 =	sshrl.u32 s27, $0x3  }
0x16: {  	s30 =	sand.u32 $0x78, s13;
	s14 =	sand.u32 $0x380, s28;
	[tilespmem:s16+$0x1830 ss:$0x81] =	vst.msk $0xffff, v59;
	s18 =	smul.u32 $0x3000, s29  }
0x17: {  	s14 =	sor.u32 s30, s14;
	[tilespmem:s16+$0x2040 ss:$0x81] =	vst.msk $0xffff, v60  }
0x18: {  	s31 =	sand.u32 $0x7, s13;
	s14 =	sshrl.u32 s14, $0x3;
	[tilespmem:s16+$0x2850 ss:$0x81] =	vst.msk $0xffff, v61;
	s17 =	ssub.s32 s26, s18  }
0x19: {  	s13 =	sshll.u32 s31, $0x12;
	s14 =	sadd.s32 s7, s14;
	[tilespmem:s16+$0x3060 ss:$0x81] =	vst.msk $0xffff, v62;
	s17 =	sshll.u32 s17, $0x7  }
0x1a: {  	s13 =	sor.u32 $0x400, s13;
	[tilespmem:s16+$0x0 ss:$0x81] =	vst.msk $0xffff, v63;
	s14 =	sadd.s32 s17, s14  }
0x1b: {  	[hbm4b:s14+s13] =	stream.strided.scatter [tilespmem:s15], [sflag:$0x2], $0x4000, s9, s13, $0x20;
	[tilespmem:$0x10100] =	vst v63  }
.LBB1_5:
0x1c: {  	s15 =	sadd.s32 $0x200, s10  }
0x1d: {  	s13 =	sadd.s32 $0x400, s11;
	s17 =	smov.u32 s11;
	p2 =	sgt.s32 s15, $0x2FFF  }
0x1e: {  	s17 =	smov.u32 @p2 s13  }
0x1f: {  	s15 =	smov.u32 @p2 s3;
	p2 =	sgt.s32 s17, $0x3FF  }
0x20: {  	s17 =	smov.u32 @p2 s2;
	p2 =	sne.s32 s12, s8  }
.Ltmp1:
0x21: {  	p1 =	slt.u32 s12, $0x2;
	(pc) =	sbr.rel @!p2 .LBB1_6-.Ltmp1, $4  }
0x22: {  	s16 =	simm.s32 @!p1 $0x2  }
0x23: {  	s14 =	smov.u32 s10;
	p0 =	por !p0, !p0;
	_ =	swait.ge @!p1 [sflag:s16], $0x4000  }
0x24: {  	s13 =	smov.u32 s11;
	[sflag:s16] =	ssyncset.done @!p1 $0x0;
	s10 =	smov.u32 s15  }
0x25: {  	s12 =	sadd.s32 $0x1, s12;
	[sflag:s16] =	ssyncadd.s32 @!p1 $0xFFFFC000;
	s11 =	smov.u32 s17  }
.LBB1_1:
0x26: {  	p1 =	sge.u32 s12, s5  }
0x27: {  	s15 =	sshrl.u32 @!p1 s11, $0x3  }
0x28: {  	s16 =	sshll.u32 @!p1 s10, $0x3;
	s17 =	sshll.u32 @!p1 s11, $0x7;
	s15 =	smul.u32 @!p1 $0x18000, s15  }
0x29: {  	s18 =	sand.u32 @!p1 $0x7F, s10;
	s16 =	sand.u32 @!p1 $0xFFFFFC00, s16;
	s17 =	sand.u32 @!p1 $0x380, s17  }
0x2a: {  	s15 =	sadd.s32 @!p1 s15, s16;
	s16 =	sor.u32 @!p1 s18, s17  }
0x2b: {  	s16 =	sor.u32 @!p1 s15, s16  }
0x2c: {  	s17 =	smulhi.u32 @!p1 $0xAAAAAAAB, s16;
	_ =	sdelay $0x1  }
0x2d: {  	s15 =	smulhi.u32 @!p1 $0xAAAAAAAB, s15;
	s17 =	sshrl.u32 @!p1 s17, $0xD  }
0x2e: {  	s17 =	smul.u32 @!p1 $0x3000, s17  }
0x2f: {  	s31 =	sadd.s32 $0xFFFFFFFF, s12;
	s18 =	sxor.u32 @!p1 $0xFFFFFFFF, s12;
	s15 =	sshrl.u32 @!p1 s15, $0xD  }
0x30: {  	s18 =	sshll.u32 @!p1 s18, $0xE;
	s15 =	sand.u32 @!p1 $0x3FF, s15;
	s16 =	ssub.s32 @!p1 s16, s17  }
0x31: {  	s15 =	smul.u32 @!p1 $0x600, s15;
	s17 =	sshrl.u32 @!p1 s16, $0x3;
	s16 =	sand.u32 @!p1 $0x7, s16  }
0x32: {  	s18 =	sand.u32 @!p1 $0x4000, s18;
	s17 =	sadd.s32 @!p1 s6, s17;
	s16 =	sshll.u32 @!p1 s16, $0x12  }
0x33: {  	s15 =	sadd.s32 @!p1 s15, s17;
	s16 =	sor.u32 @!p1 $0x400, s16;
	s17 =	simm.s32 @!p1 $0x18000  }
0x34: {  	[tilespmem:s18], [sflag:$0x1] =	stream.strided.gather @!p1 [hbm4b:s15+s16], $0x4000, s17, s16, $0x38;
	[tilespmem:$0x10100] =	vst v63  }
0x35: {  	p1 =	sge.u32 s31, s5  }
.Ltmp2:
0x36: {  	_ = 	snop;
	(pc) =	sbr.rel @p1 .LBB1_5-.Ltmp2, $1  }
0x37: {  	_ =	sdelay $0x3  }
0x38: {  	s15 =	simm.s32 $0x1  }
0x39: {  	_ =	swait.ge [sflag:s4], $0x4000;
	s15 =	simm.s32 @!p0 $0x0  }
0x3a: {  	[sflag:s4] =	ssyncset.done $0x0;
	s16 =	sshll.u32 s15, $0xE  }
0x3b: {  	[sflag:s4] =	ssyncadd.s32 $0xFFFFC000;
	s18 =	sor.u32 $0x40, s16  }
0x3c: {  	s15 =	smul.u32 $0x10200, s15;
	v0 =	vld [tilespmem:s18+$0x30]  }
0x3d: {  	v1 =	vld [tilespmem:s18+$0xFFFFFFD0]  }
0x3e: {  	s15 =	sshrl.u32 s15, $0x2;
	v5 =	vld [tilespmem:s18+$0xFFFFFFE0]  }
0x3f: {  	v6 =	vld [tilespmem:s18+$0xFFFFFFF0];
	s16 =	sor.u32 $0x8000, s15  }
0x40: {  	s31 =	sand.u32 $0x1, s12;
	v4 =	vld [tilespmem:s18+$0x0];
	s17 =	sadd.s32 $0x0, s16  }
0x41: {  	v3 =	vld [tilespmem:s18+$0x10];
	s15 =	smul.u32 $0x10200, s31;
	[tilespmem:s17+$0x3870 ss:$0x81] =	vst.msk $0xffff, v0  }
0x42: {  	v2 =	vld [tilespmem:s18+$0x20];
	[tilespmem:s17+$0x810 ss:$0x81] =	vst.msk $0xffff, v1  }
0x43: {  	s15 =	sshrl.u32 s15, $0x2;
	v0 =	vld [tilespmem:s18+$0xFFFFFFC0];
	[tilespmem:s17+$0x1020 ss:$0x81] =	vst.msk $0xffff, v5;
	s18 =	sadd.s32 $0x80, s18  }
0x44: {  	s19 =	simm.s32 $0x4;
	s20 =	simm.s32 $0x8;
	s15 =	sor.u32 $0x8000, s15;
	[tilespmem:s17+$0x1830 ss:$0x81] =	vst.msk $0xffff, v6;
	v1 =	vld [tilespmem:s18+$0x30]  }
.LBB1_3:
0x45: {  	p1 =	sne.s32 s20, $0x1FC;
	v5 =	vld [tilespmem:s18+$0xFFFFFFD0];
	[tilespmem:s17+$0x2040 ss:$0x81] =	vst.msk $0xffff, v4  }
0x46: {  	v6 =	vld [tilespmem:s18+$0xFFFFFFE0];
	[tilespmem:s17+$0x2850 ss:$0x81] =	vst.msk $0xffff, v3  }
0x47: {  	s21 =	sshra.s32 s19, $0x2;
	s19 =	smov.u32 s20;
	v7 =	vld [tilespmem:s18+$0xFFFFFFF0];
	[tilespmem:s17+$0x3060 ss:$0x81] =	vst.msk $0xffff, v2  }
.Ltmp3:
0x48: {  	v4 =	vld [tilespmem:s18+$0x0];
	[tilespmem:s17+$0x0 ss:$0x81] =	vst.msk $0xffff, v0;
	s17 =	sadd.s32 s21, s16;
	(pc) =	sbr.rel @p1 .LBB1_3-.Ltmp3, $4  }
0x49: {  	v3 =	vld [tilespmem:s18+$0x10];
	[tilespmem:s17+$0x3870 ss:$0x81] =	vst.msk $0xffff, v1  }
0x4a: {  	[tilespmem:s17+$0x810 ss:$0x81] =	vst.msk $0xffff, v5;
	v2 =	vld [tilespmem:s18+$0x20]  }
0x4b: {  	v0 =	vld [tilespmem:s18+$0xFFFFFFC0];
	[tilespmem:s17+$0x1020 ss:$0x81] =	vst.msk $0xffff, v6;
	s18 =	sadd.s32 $0x80, s18  }
0x4c: {  	s20 =	sadd.s32 $0x4, s20;
	v1 =	vld [tilespmem:s18+$0x30];
	[tilespmem:s17+$0x1830 ss:$0x81] =	vst.msk $0xffff, v7  }
.Ltmp4:
0x4d: {  	_ = 	snop;
	(pc) =	sbr.rel .LBB1_4-.Ltmp4, $1  }
0x4e: {  	_ =	sdelay $0x3  }
.LBB1_6:
0x4f: {  	_ =	sfence.sel $0x180000  }
0x50: {  	s2 =	simm.s32 $0x1;
	[bflag:$0x0] =	sbarrier.arrive $0xFFFF  }
0x51: {  	s31 =	simm.s32 $0x2;
	[sflag:s2] =	ssyncpa.u1 $0x1  }
0x52: {  	[sflag:s31] =	ssyncpa.u1 $0x1  }
0x53: {  	p0 =	sne.s32 s0, $0x0;
	_ =	strace $0x90000054  }
0x54: {  	s0 =	sadd.s32 @!p0 $0x100000, s1;
	[bflag:$0x2] =	sbarrier.arrive $0xFFFF  }
0x55: {  	[sflag:s0] =	ssyncadd.tile.s32 @!p0 $0x1;
	_ =	shalt  }
.Lfunc_end1:
_tile_overlayer_lowered:
.L_overlay_start_2:
0x56: {  	(tag) =	ssettag $0x2  }
0x57: {  	s0 =	rddreg [dreg:$0x0];
	s2 =	stileid.u32  }
0x58: {  	s1 =	rddreg [dreg:$0x1];
	p0 =	sne.s32 s2, $0x0  }
0x59: {  	s3 =	rddreg [dreg:$0x2];
	[bflag:$0x3] =	sbarrier.arrive $0xFFFF;
	s2 =	simm.s32 @!p0 $0x1C01  }
0x5a: {  	[timem:s3], [sflag:s2] =	dma.local @!p0 [hbm:s0], s1  }
0x5b: {  	s0 =	simm.s32 @!p0 $0x1  }
0x5c: {  	_ =	swait.ge @!p0 [sflag:s0], s1  }
0x5d: {  	s1 =	ssub.s32 @!p0 $0x0, s1;
	[sflag:s0] =	ssyncset.done @!p0 $0x0  }
0x5e: {  	[sflag:s0] =	ssyncadd.s32 @!p0 s1  }
0x5f: {  	[bflag:$0x3] =	sbarrier.arrive $0xFFFF  }
0x60: {  	_ =	shalt  }

// kernel: sparse-core-data-format-call.cloned.1.call-start
scs
called_computation_lowered:
.L_overlay_start_0:
0x0: {  	s1 =	sld [smem:$0x3FD9]  }
0x1: {  	s2 =	sld [smem:$0x3FFE];
	_ =	sdelay $0x1  }
0x2: {  	s3 =	srdreg.scid  }
0x3: {  	s0 =	sand.u32 $0x1, s3  }
0x4: {  	s17 =	sshll.u32 s0, $0xA;
	s1 =	sadd.s32 s2, s1  }
0x5: {  	s1 =	sadd.s32 s1, s17  }
0x6: {  	[smem:$0x3FBC] =	sst s1  }
0x7: {  	_ = 	snop  }
0x8: {  	(tm) =	ssettm $0x1  }
0x9: {  	s18 =	sld [smem:$0x3FFB];
	_ =	sdelay $0x3  }
0xa: {  	_ =	strace s18  }
0xb: {  	s1 =	sld [smem:$0x3FFC];
	_ =	sdelay $0x3  }
0xc: {  	_ =	strace s1  }
0xd: {  	s1 =	sld [smem:$0x3FFD];
	_ =	sdelay $0x3  }
0xe: {  	_ =	strace s1  }
0xf: {  	_ =	strace $0x8FFFFFFF  }
0x10: {  	s19 =	sld [smem:$0x3FDB];
	_ =	sdelay $0x1  }
0x11: {  	s20 =	simm.s32 $_scs_section_size  }
0x12: {  	s4 =	simm.s32 $_size__tile_overlayer_lowered;
	s5 =	simm.s32 $_tile_overlayer_lowered  }
0x13: {  	s23 =	simm.s32 $0x1BFF;
	s22 =	sshll.u32 s5, $0x1;
	s1 =	sadd.s32 s20, s19  }
0x14: {  	s6 =	simm.s32 $0x0;
	s21 =	sshll.u32 s4, $0x1;
	s4 =	sadd.s32 s22, s1  }
0x15: {  	[timem:s6], [sflag:s23] =	dma.local [hbm:s4], s21  }
0x16: {  	_ =	swait.ge [sflag:s23], s21  }
0x17: {  	s2 =	ssub.s32 $0x0, s21;
	[sflag:s23] =	ssyncset.done $0x0  }
0x18: {  	[sflag:s23] =	ssyncadd.s32 s2;
	_ =	sdelay $0x1  }
0x19: {  	s24 =	simm.s32 $0x1B8B  }
0x1a: {  	_ =	swait.ge [sflag:s24], $0x1  }
0x1b: {  	[sflag:s24] =	ssyncset.done $0x0  }
0x1c: {  	s26 =	simm.s32 $0x1B8E;
	s25 =	sld [smem:$0x3FFE];
	[sflag:s24] =	ssyncadd.s32 $0xFFFFFFFF  }
0x1d: {  	s27 =	simm.s32 $execute0_lowered;
	[smem:$0x3FD2] =	sst s26  }
0x1e: {  	s4 =	sshll.u32 s27, $0x1;
	_ =	strace $0x80000056;
	[dreg:$0x1] =	wrdreg $0xFFFFFFFF  }
0x1f: {  	s28 =	simm.s32 $_size_execute0_lowered;
	s1 =	sadd.s32 s1, s4;
	[dreg:$0x0] =	wrdreg $0x0  }
0x20: {  	s4 =	sshll.u32 s28, $0x1;
	[dreg:$0x2] =	wrdreg s1  }
0x21: {  	[dreg:$0x3] =	wrdreg s4  }
0x22: {  	[dreg:$0x4] =	wrdreg $0xC0  }
0x23: {  	_ =	task [dreg:s6], $0x5FFFF  }
0x24: {  	[dreg:$0x1] =	wrdreg $0xFFFFFFFF  }
0x25: {  	[dreg:$0x0] =	wrdreg $0x60  }
0x26: {  	[dreg:$0x2] =	wrdreg s25  }
0x27: {  	[dreg:$0x3] =	wrdreg $0x9  }
0x28: {  	_ =	task.clear_ibuf [dreg:s6], $0x4FFFF;
	_ =	strace $0x90000056  }
0x29: {  	s29 =	simm.s32 $0x9;
	_ =	strace $0x80000058  }
0x2a: {  	_ =	swait.ge [sflag:s29], $0x1  }
0x2b: {  	[sflag:s29] =	ssyncadd.s32 $0xFFFFFFFF  }
0x2c: {  	_ =	strace $0x90000058  }
0x2d: {  	_ =	sfence  }
0x2e: {  	s30 =	sld [smem:$0x0];
	_ =	sdelay $0x2  }
0x2f: {  	s31 =	sshll.u32 s3, $0xD;
	s3 =	sshrl.u32 s3, $0x2  }
0x30: {  	s2 =	sand.u32 $0x4000, s31;
	s1 =	sadd.s32 s3, s30  }
0x31: {  	s0 =	sor.u32 s2, s0;
	s1 =	sshll.u32 s1, $0x11  }
0x32: {  	s0 =	sor.u32 s1, s0  }
0x33: {  	s0 =	sadd.s32 $0x8F2B, s0  }
0x34: {  	[sflag:s0] =	ssyncadd.remote.s32 $0x1  }
0x35: {  	_ =	sfence.sel $0xFFFF  }
0x36: {  	[dreg:$0x0] =	wrdreg $0xFFFFFFFF;
	(pc) =	sbr.abs _section_cstart, $3  }
0x37: {  	[dreg:$0x1] =	wrdreg $0xFFFFFFFF  }
0x38: {  	_ =	task.clear_ibuf [dreg:s6], $0x2FFFF;
	_ =	strace $0x9FFFFFFF  }
0x39: {  	(tm) =	ssettm $0x7FFFFFFF  }
tec
execute0_lowered:
.L_overlay_start_1:
0x0: {  	(tag) =	ssettag $0x1  }
0x1: {  	s0 =	srdreg.scid  }
0x2: {  	s1 =	sshll.u32 s0, $0x4  }
0x3: {  	s6 =	rddreg [dreg:$0x0];
	s0 =	stileid.u32;
	s1 =	sand.u32 $0x10, s1  }
0x4: {  	s5 =	simm.s32 $0x1;
	s31 =	simm.s32 $0x2;
	s1 =	sor.u32 s0, s1  }
0x5: {  	s12 =	simm.s32 $0x0;
	s8 =	simm.s32 $0x18000;
	s2 =	sshll.u32 s1, $0x7  }
0x6: {  	s13 =	simm.s32 $0x0;
	s9 =	simm.s32 $0x0;
	s3 =	ssub.s32 $0x3000, s2  }
0x7: {  	s11 =	simm.s32 $0x0;
	s1 =	rddreg [dreg:$0x1];
	s4 =	sand.u32 $0xF80, s3  }
.Ltmp0:
0x8: {  	_ =	strace $0x80000057;
	p0 =	sne.s32 s4, $0x0;
	(pc) =	sbr.rel .LBB1_1-.Ltmp0, $4  }
0x9: {  	s10 =	smov.u32 s2;
	s7 =	sshrl.u32 s3, $0xC;
	s5 =	simm.s32 @!p0 $0x0  }
0xa: {  	s3 =	sadd.s32 $0x22A00, s6;
	s4 =	simm.s32 $0x1;
	s5 =	sadd.s32 s5, s7  }
0xb: {  	s6 =	sadd.s32 $0x1A2A00, s6;
	[sflag:s4] =	ssyncpa.u1 $0x0;
	s5 =	sshll.u32 s5, $0x3  }
0xc: {  	p0 =	por $0x0, $0x0;
	[sflag:s31] =	ssyncpa.u1 $0x0;
	s7 =	sor.u32 $0x1, s5  }
.LBB1_4:
0xd: {  	s19 =	sshrl.u32 s12, $0x3  }
0xe: {  	s20 =	sshll.u32 s13, $0x3;
	s24 =	sshll.u32 s12, $0x7;
	s19 =	smul.u32 $0x18000, s19  }
0xf: {  	v5 =	vld [tilespmem:s17+$0xFFFFFFD0];
	[tilespmem:s16+$0x2040 ss:$0x81] =	vst.msk $0xffff, v4;
	s25 =	sand.u32 $0x7F, s13;
	s20 =	sand.u32 $0xFFFFFC00, s20;
	s12 =	sand.u32 $0x380, s24  }
0x10: {  	v58 =	vld [tilespmem:s17+$0xFFFFFFE0];
	[tilespmem:s16+$0x2850 ss:$0x81] =	vst.msk $0xffff, v2;
	s12 =	sor.u32 s25, s12;
	s19 =	sadd.s32 s20, s19  }
0x11: {  	s26 =	sshra.s32 s18, $0x2;
	v59 =	vld [tilespmem:s17+$0xFFFFFFF0];
	[tilespmem:s16+$0x3060 ss:$0x81] =	vst.msk $0xffff, v3;
	s12 =	sor.u32 s19, s12  }
0x12: {  	v60 =	vld [tilespmem:s17+$0x0];
	[tilespmem:s16+$0x0 ss:$0x81] =	vst.msk $0xffff, v0;
	s13 =	sadd.s32 s26, s15;
	s27 =	smulhi.u32 $0xAAAAAAAB, s12  }
0x13: {  	v61 =	vld [tilespmem:s17+$0x10];
	[tilespmem:s13+$0x3870 ss:$0x81] =	vst.msk $0xffff, v1  }
0x14: {  	v62 =	vld [tilespmem:s17+$0x20];
	s28 =	smulhi.u32 $0xAAAAAAAB, s19;
	[tilespmem:s13+$0x810 ss:$0x81] =	vst.msk $0xffff, v5;
	s15 =	sshrl.u32 s27, $0xD  }
0x15: {  	v63 =	vld [tilespmem:s17+$0xFFFFFFC0];
	[tilespmem:s13+$0x1020 ss:$0x81] =	vst.msk $0xffff, v58;
	s15 =	smul.u32 $0x3000, s15  }
0x16: {  	[tilespmem:s13+$0x1830 ss:$0x81] =	vst.msk $0xffff, v59;
	s16 =	sshrl.u32 s28, $0xD  }
0x17: {  	[tilespmem:s13+$0x2040 ss:$0x81] =	vst.msk $0xffff, v60;
	s29 =	sand.u32 $0x3FF, s16;
	s12 =	ssub.s32 s12, s15  }
0x18: {  	[tilespmem:s13+$0x2850 ss:$0x81] =	vst.msk $0xffff, v61;
	s15 =	smul.u32 $0x600, s29;
	s30 =	sshrl.u32 s12, $0x3;
	s12 =	sand.u32 $0x7, s12  }
0x19: {  	[tilespmem:s13+$0x3060 ss:$0x81] =	vst.msk $0xffff, v62;
	s16 =	sadd.s32 s6, s30;
	s12 =	sshll.u32 s12, $0x12  }
0x1a: {  	[tilespmem:s13+$0x0 ss:$0x81] =	vst.msk $0xffff, v63;
	s31 =	sadd.s32 s15, s16;
	s12 =	sor.u32 $0x400, s12  }
0x1b: {  	[hbm4b:s31+s12] =	stream.strided.scatter [tilespmem:s14], [sflag:$0x2], $0x4000, s8, s12, $0x20;
	[tilespmem:$0x10100] =	vst v63  }
.LBB1_5:
0x1c: {  	s14 =	sadd.s32 $0x80, s9  }
0x1d: {  	s12 =	sadd.s32 $0x1000, s10;
	s16 =	smov.u32 s10;
	p2 =	sgt.s32 s14, $0x3FF  }
0x1e: {  	s16 =	smov.u32 @p2 s12  }
0x1f: {  	s14 =	simm.s32 @p2 $0x0;
	p2 =	sgt.s32 s16, $0x2FFF  }
0x20: {  	s16 =	smov.u32 @p2 s2;
	p2 =	sne.s32 s11, s7  }
.Ltmp1:
0x21: {  	p1 =	slt.u32 s11, $0x2;
	(pc) =	sbr.rel @!p2 .LBB1_6-.Ltmp1, $4  }
0x22: {  	s15 =	simm.s32 @!p1 $0x2  }
0x23: {  	s13 =	smov.u32 s10;
	p0 =	por !p0, !p0;
	_ =	swait.ge @!p1 [sflag:s15], $0x4000  }
0x24: {  	s12 =	smov.u32 s9;
	[sflag:s15] =	ssyncset.done @!p1 $0x0;
	s9 =	smov.u32 s14  }
0x25: {  	s11 =	sadd.s32 $0x1, s11;
	[sflag:s15] =	ssyncadd.s32 @!p1 $0xFFFFC000;
	s10 =	smov.u32 s16  }
.LBB1_1:
0x26: {  	p1 =	sge.u32 s11, s5  }
0x27: {  	s14 =	sshll.u32 @!p1 s10, $0xA  }
0x28: {  	s15 =	sshll.u32 @!p1 s9, $0x3;
	s14 =	sand.u32 @!p1 $0xFFFFE000, s14  }
0x29: {  	s14 =	sadd.s32 @!p1 s14, s15  }
0x2a: {  	s14 =	sshrl.u32 @!p1 s14, $0xA  }
0x2b: {  	s15 =	smulhi.u32 @!p1 $0x2AAAAB, s14  }
0x2c: {  	s16 =	sxor.u32 @!p1 $0xFFFFFFFF, s11  }
0x2d: {  	s17 =	sshll.u32 @!p1 s10, $0x7;
	s18 =	sand.u32 @!p1 $0x78, s9;
	s15 =	sshrl.u32 @!p1 s15, $0x3  }
0x2e: {  	s16 =	sshll.u32 @!p1 s16, $0xE;
	s17 =	sand.u32 @!p1 $0x380, s17;
	s15 =	smul.u32 @!p1 $0x3000, s15  }
0x2f: {  	s31 =	sadd.s32 $0xFFFFFFFF, s11;
	s17 =	sor.u32 @!p1 s18, s17;
	s16 =	sand.u32 @!p1 $0x4000, s16  }
0x30: {  	s14 =	ssub.s32 @!p1 s14, s15;
	s15 =	sshrl.u32 @!p1 s17, $0x3;
	s17 =	sand.u32 @!p1 $0x7, s9  }
0x31: {  	s14 =	sshll.u32 @!p1 s14, $0x7;
	s15 =	sadd.s32 @!p1 s3, s15;
	s17 =	sshll.u32 @!p1 s17, $0x12  }
0x32: {  	s14 =	sadd.s32 @!p1 s14, s15;
	s15 =	sor.u32 @!p1 $0x400, s17;
	s17 =	simm.s32 @!p1 $0x2000  }
0x33: {  	[tilespmem:s16], [sflag:$0x1] =	stream.strided.gather @!p1 [hbm4b:s14+s15], $0x4000, s17, s15, $0x38;
	[tilespmem:$0x10100] =	vst v63  }
0x34: {  	p1 =	sge.u32 s31, s5  }
.Ltmp2:
0x35: {  	_ = 	snop;
	(pc) =	sbr.rel @p1 .LBB1_5-.Ltmp2, $1  }
0x36: {  	_ =	sdelay $0x3  }
0x37: {  	s14 =	simm.s32 $0x1  }
0x38: {  	_ =	swait.ge [sflag:s4], $0x4000;
	s14 =	simm.s32 @!p0 $0x0  }
0x39: {  	[sflag:s4] =	ssyncset.done $0x0;
	s15 =	sshll.u32 s14, $0xE  }
0x3a: {  	[sflag:s4] =	ssyncadd.s32 $0xFFFFC000;
	s17 =	sor.u32 $0x40, s15  }
0x3b: {  	s14 =	smul.u32 $0x10200, s14;
	v0 =	vld [tilespmem:s17+$0x30]  }
0x3c: {  	v1 =	vld [tilespmem:s17+$0xFFFFFFD0]  }
0x3d: {  	s14 =	sshrl.u32 s14, $0x2;
	v5 =	vld [tilespmem:s17+$0xFFFFFFE0]  }
0x3e: {  	v6 =	vld [tilespmem:s17+$0xFFFFFFF0];
	s15 =	sor.u32 $0x8000, s14  }
0x3f: {  	s31 =	sand.u32 $0x1, s11;
	v4 =	vld [tilespmem:s17+$0x0];
	s16 =	sadd.s32 $0x0, s15  }
0x40: {  	v2 =	vld [tilespmem:s17+$0x10];
	s14 =	smul.u32 $0x10200, s31;
	[tilespmem:s16+$0x3870 ss:$0x81] =	vst.msk $0xffff, v0  }
0x41: {  	v3 =	vld [tilespmem:s17+$0x20];
	[tilespmem:s16+$0x810 ss:$0x81] =	vst.msk $0xffff, v1  }
0x42: {  	s14 =	sshrl.u32 s14, $0x2;
	v0 =	vld [tilespmem:s17+$0xFFFFFFC0];
	[tilespmem:s16+$0x1020 ss:$0x81] =	vst.msk $0xffff, v5;
	s17 =	sadd.s32 $0x80, s17  }
0x43: {  	s18 =	simm.s32 $0x4;
	s19 =	simm.s32 $0x8;
	s14 =	sor.u32 $0x8000, s14;
	[tilespmem:s16+$0x1830 ss:$0x81] =	vst.msk $0xffff, v6;
	v1 =	vld [tilespmem:s17+$0x30]  }
.LBB1_3:
0x44: {  	p1 =	sne.s32 s19, $0x1FC;
	v5 =	vld [tilespmem:s17+$0xFFFFFFD0];
	[tilespmem:s16+$0x2040 ss:$0x81] =	vst.msk $0xffff, v4  }
0x45: {  	v6 =	vld [tilespmem:s17+$0xFFFFFFE0];
	[tilespmem:s16+$0x2850 ss:$0x81] =	vst.msk $0xffff, v2  }
0x46: {  	s20 =	sshra.s32 s18, $0x2;
	s18 =	smov.u32 s19;
	v7 =	vld [tilespmem:s17+$0xFFFFFFF0];
	[tilespmem:s16+$0x3060 ss:$0x81] =	vst.msk $0xffff, v3  }
.Ltmp3:
0x47: {  	v4 =	vld [tilespmem:s17+$0x0];
	[tilespmem:s16+$0x0 ss:$0x81] =	vst.msk $0xffff, v0;
	s16 =	sadd.s32 s20, s15;
	(pc) =	sbr.rel @p1 .LBB1_3-.Ltmp3, $4  }
0x48: {  	v2 =	vld [tilespmem:s17+$0x10];
	[tilespmem:s16+$0x3870 ss:$0x81] =	vst.msk $0xffff, v1  }
0x49: {  	[tilespmem:s16+$0x810 ss:$0x81] =	vst.msk $0xffff, v5;
	v3 =	vld [tilespmem:s17+$0x20]  }
0x4a: {  	v0 =	vld [tilespmem:s17+$0xFFFFFFC0];
	[tilespmem:s16+$0x1020 ss:$0x81] =	vst.msk $0xffff, v6;
	s17 =	sadd.s32 $0x80, s17  }
0x4b: {  	s19 =	sadd.s32 $0x4, s19;
	v1 =	vld [tilespmem:s17+$0x30];
	[tilespmem:s16+$0x1830 ss:$0x81] =	vst.msk $0xffff, v7  }
.Ltmp4:
0x4c: {  	_ = 	snop;
	(pc) =	sbr.rel .LBB1_4-.Ltmp4, $1  }
0x4d: {  	_ =	sdelay $0x3  }
.LBB1_6:
0x4e: {  	_ =	sfence.sel $0x180000  }
0x4f: {  	s2 =	simm.s32 $0x1;
	[bflag:$0x0] =	sbarrier.arrive $0xFFFF  }
0x50: {  	s31 =	simm.s32 $0x2;
	[sflag:s2] =	ssyncpa.u1 $0x1  }
0x51: {  	[sflag:s31] =	ssyncpa.u1 $0x1  }
0x52: {  	p0 =	sne.s32 s0, $0x0;
	_ =	strace $0x90000057  }
0x53: {  	s0 =	sadd.s32 @!p0 $0x100000, s1;
	[bflag:$0x2] =	sbarrier.arrive $0xFFFF  }
0x54: {  	[sflag:s0] =	ssyncadd.tile.s32 @!p0 $0x1;
	_ =	shalt  }
.Lfunc_end1:
_tile_overlayer_lowered:
.L_overlay_start_2:
0x55: {  	(tag) =	ssettag $0x2  }
0x56: {  	s0 =	rddreg [dreg:$0x0];
	s2 =	stileid.u32  }
0x57: {  	s1 =	rddreg [dreg:$0x1];
	p0 =	sne.s32 s2, $0x0  }
0x58: {  	s3 =	rddreg [dreg:$0x2];
	[bflag:$0x3] =	sbarrier.arrive $0xFFFF;
	s2 =	simm.s32 @!p0 $0x1C01  }
0x59: {  	[timem:s3], [sflag:s2] =	dma.local @!p0 [hbm:s0], s1  }
0x5a: {  	s0 =	simm.s32 @!p0 $0x1  }
0x5b: {  	_ =	swait.ge @!p0 [sflag:s0], s1  }
0x5c: {  	s1 =	ssub.s32 @!p0 $0x0, s1;
	[sflag:s0] =	ssyncset.done @!p0 $0x0  }
0x5d: {  	[sflag:s0] =	ssyncadd.s32 @!p0 s1  }
0x5e: {  	[bflag:$0x3] =	sbarrier.arrive $0xFFFF  }
0x5f: {  	_ =	shalt  }

</sc_bundles>
